<compile_context>
chip_gen: v7x
topology: tpu7x:2x2x1
jax: 0.10.2.dev20260603
libtpu: 0.0.44.dev20260713+nightly
codegen_flags: <defaults>
</compile_context>

<pallas_src>
import numpy as np
import jax
import jax.numpy as jnp
from jax.experimental import pallas as pl
from jax.experimental.pallas import tpu as pltpu

_C = 96
_D4 = 24
_K = 9
_PS = 32
_N = 1024
_WSZ = 7
_PPB = _WSZ * _WSZ
_W = _WSZ * _PS


def _grid_rows() -> np.ndarray:
    gi, gj = np.meshgrid(np.arange(_PS), np.arange(_PS), indexing="ij")
    g = np.stack([gi, gj], axis=-1).astype(np.float32).reshape(_N, 2)
    g = (g - g.mean(0)) / (g.std(0, ddof=1) + 1e-5)
    pad = np.zeros((8, _N), np.float32)
    pad[0] = g[:, 0]
    pad[1] = g[:, 1]
    return pad


def _patch_kernel(x_ref, gp_ref, fw_ref, fb_ref, fg_ref, fbn_ref,
                  e1a_ref, e1b_ref, e1bias_ref, e2w_ref, e2b_ref,
                  gam_ref, bet_ref, pw_ref, pb_ref, rw_ref, rb_ref,
                  yp_ref, yr_ref, st_ref):
    f32 = jnp.float32
    x = x_ref[0]

    r_out = jax.lax.dot(rw_ref[...], x, preferred_element_type=f32) + rb_ref[...]
    yr_ref[0] = r_out

    f = jax.lax.dot(fw_ref[...], x, preferred_element_type=f32) + fb_ref[...]
    mu = jnp.mean(f)
    var = jnp.mean((f - mu) ** 2)
    nodes = (f - mu) * jax.lax.rsqrt(var + 1e-5) * fg_ref[...] + fbn_ref[...]

    xaug = jnp.concatenate([nodes, gp_ref[...]], axis=0)
    nrm = jnp.sqrt(jnp.sum(xaug * xaug, axis=0, keepdims=True))
    xn = xaug / jnp.maximum(nrm, 1e-8)
    sim = jax.lax.dot_general(xn, xn, (((0,), (0,)), ((), ())),
                              preferred_element_type=f32)

    rowi = jax.lax.broadcasted_iota(jnp.int32, (_N, _N), 0)
    coli = jax.lax.broadcasted_iota(jnp.int32, (_N, _N), 1)
    neg = f32(-1e30)
    sim = jnp.where(rowi == coli, neg, sim)

    a_src = jax.lax.dot(e1a_ref[...], nodes, preferred_element_type=f32) + e1bias_ref[...]

    acc = jnp.zeros((_D4, _N), f32)
    for _ in range(_K):
        idx = jnp.argmax(sim, axis=1, keepdims=True)
        sel = coli == idx
        sel_f = sel.astype(f32)
        nodes_d = jax.lax.dot_general(nodes, sel_f, (((1,), (1,)), ((), ())),
                                      preferred_element_type=f32)
        hdn = jax.nn.silu(a_src + jax.lax.dot(e1b_ref[...], nodes_d,
                                              preferred_element_type=f32))
        wt = jax.nn.sigmoid(jnp.sum(hdn * e2w_ref[...], axis=0, keepdims=True)
                            + e2b_ref[...])
        acc = acc + nodes_d * wt
        sim = jnp.where(sel, neg, sim)

    out_nodes = acc * gam_ref[...] + nodes * bet_ref[...]

    po = jax.lax.dot(pw_ref[...], out_nodes, preferred_element_type=f32) + pb_ref[...]
    yp_ref[0] = po

    def tile(v):
        return jnp.full((2, 128), v, f32)

    st_ref[0] = jnp.concatenate(
        [tile(jnp.sum(po)), tile(jnp.sum(po * po)),
         tile(jnp.sum(r_out)), tile(jnp.sum(r_out * r_out))], axis=0)


def _fin_kernel(yp_ref, yr_ref, ap_ref, ar_ref, cc_ref, o_ref):
    y7 = yp_ref[...] * ap_ref[...] + yr_ref[...] * ar_ref[...] + cc_ref[...]
    band = jnp.concatenate(
        [y7[jj].reshape(_C, _PS, _PS) for jj in range(_WSZ)], axis=2)
    o_ref[0] = band


def _bcast_spec(shape):
    nd = len(shape)
    return pl.BlockSpec(shape, lambda p, _n=nd: (0,) * _n)


def kernel(x_in, f_w, f_b, f_g, f_bn, p_w, p_b, p_g, p_bn, r_w, r_b, r_g,
           r_bn, e1_w, e1_b, e2_w, e2_b, gamma, beta):
    f32 = jnp.float32
    B = x_in.shape[0]
    npatch = B * _PPB

    xw = (x_in.reshape(B, _C, _WSZ, _PS, _WSZ, _PS)
          .transpose(0, 2, 4, 1, 3, 5)
          .reshape(npatch, _C, _N))

    gp = jnp.asarray(_grid_rows())
    e1a = e1_w[:, :_D4]
    e1b_m = e1_w[:, _D4:]

    col = lambda v: v.reshape(-1, 1).astype(f32)

    def bandidx(p):
        return (p // _PPB, 0, (p % _PPB) // _WSZ)

    yp, yr, st = pl.pallas_call(
        _patch_kernel,
        grid=(npatch,),
        in_specs=[
            pl.BlockSpec((1, _C, _N), lambda p: (p, 0, 0)),
            _bcast_spec((8, _N)),
            _bcast_spec((_D4, _C)),
            _bcast_spec((_D4, 1)),
            _bcast_spec((_D4, 1)),
            _bcast_spec((_D4, 1)),
            _bcast_spec((_D4, _D4)),
            _bcast_spec((_D4, _D4)),
            _bcast_spec((_D4, 1)),
            _bcast_spec((_D4, 1)),
            _bcast_spec((1, 1)),
            _bcast_spec((1, 1)),
            _bcast_spec((1, 1)),
            _bcast_spec((_C, _D4)),
            _bcast_spec((_C, 1)),
            _bcast_spec((_C, _C)),
            _bcast_spec((_C, 1)),
        ],
        out_specs=[
            pl.BlockSpec((1, _C, _N), lambda p: (p, 0, 0)),
            pl.BlockSpec((1, _C, _N), lambda p: (p, 0, 0)),
            pl.BlockSpec((1, 8, 128), lambda p: (p, 0, 0)),
        ],
        out_shape=[
            jax.ShapeDtypeStruct((npatch, _C, _N), f32),
            jax.ShapeDtypeStruct((npatch, _C, _N), f32),
            jax.ShapeDtypeStruct((npatch, 8, 128), f32),
        ],
        compiler_params=pltpu.CompilerParams(
            dimension_semantics=("arbitrary",)),
    )(xw, gp, f_w, col(f_b), col(f_g), col(f_bn), e1a, e1b_m, col(e1_b),
      e2_w.reshape(_D4, 1), e2_b.reshape(1, 1), gamma.reshape(1, 1),
      beta.reshape(1, 1), p_w, col(p_b), r_w, col(r_b))

    cnt = f32(_PPB * _C * _N)
    s_p = st[:, 0, 0].reshape(B, _PPB).sum(axis=1)
    ss_p = st[:, 2, 0].reshape(B, _PPB).sum(axis=1)
    s_r = st[:, 4, 0].reshape(B, _PPB).sum(axis=1)
    ss_r = st[:, 6, 0].reshape(B, _PPB).sum(axis=1)
    mu_p = s_p / cnt
    mu_r = s_r / cnt
    inv_p = jax.lax.rsqrt(jnp.maximum(ss_p / cnt - mu_p * mu_p, 0.0) + 1e-5)
    inv_r = jax.lax.rsqrt(jnp.maximum(ss_r / cnt - mu_r * mu_r, 0.0) + 1e-5)

    ap = p_g[None, :] * inv_p[:, None]
    ar = r_g[None, :] * inv_r[:, None]
    cc = (p_bn[None, :] + r_bn[None, :]
          - mu_p[:, None] * ap - mu_r[:, None] * ar)

    out = pl.pallas_call(
        _fin_kernel,
        grid=(B, _WSZ),
        in_specs=[
            pl.BlockSpec((_WSZ, _C, _N), lambda b, i: (b * _WSZ + i, 0, 0)),
            pl.BlockSpec((_WSZ, _C, _N), lambda b, i: (b * _WSZ + i, 0, 0)),
            pl.BlockSpec((1, _C, 1), lambda b, i: (b, 0, 0)),
            pl.BlockSpec((1, _C, 1), lambda b, i: (b, 0, 0)),
            pl.BlockSpec((1, _C, 1), lambda b, i: (b, 0, 0)),
        ],
        out_specs=pl.BlockSpec((1, _C, _PS, _W), lambda b, i: (b, 0, i, 0)),
        out_shape=jax.ShapeDtypeStruct((B, _C, _W, _W), f32),
        compiler_params=pltpu.CompilerParams(
            dimension_semantics=("arbitrary", "arbitrary")),
    )(yp, yr, ap[:, :, None], ar[:, :, None], cc[:, :, None])

    return out

# --- scband reference (transcript-rebuilt; emitter-appended) ---
"""Pipeline reference for scband-enhanced-gnnlocal-cluster-6158983102546 (READ-ONLY COPY).

The authoritative reference and input builder live on the scoring server;
editing this copy changes nothing except your own understanding.
"""

import jax, jax.numpy as jnp
import numpy as np

DIM = 96
WSZ = 7
K = 9
B = 2
H = 224
W = 224

def conv1x1(x, w, b):
    return jnp.einsum('bchw,oc->bohw', x, w) + b[None, :, None, None]

def groupnorm1(x, g, b, eps=1e-05):
    mu = jnp.mean(x, axis=(1, 2, 3), keepdims=True)
    var = jnp.var(x, axis=(1, 2, 3), keepdims=True)
    xh = (x - mu) / jnp.sqrt(var + eps)
    return xh * g[None, :, None, None] + b[None, :, None, None]

def setup_inputs(seed: int = 0):
    key = jax.random.key(seed)
    ks = jax.random.split(key, 8)
    d = DIM
    d4 = d // 4
    inp = {}
    inp['x_in'] = jax.random.normal(ks[0], (B, d, H, W), dtype=jnp.float32)
    inp['f_w'] = jax.random.normal(ks[1], (d4, d), dtype=jnp.float32) * 0.05
    inp['f_b'] = jnp.zeros((d4,), jnp.float32)
    inp['f_g'] = jnp.ones((d4,), jnp.float32)
    inp['f_bn'] = jnp.zeros((d4,), jnp.float32)
    inp['p_w'] = jax.random.normal(ks[2], (d, d4), dtype=jnp.float32) * 0.05
    inp['p_b'] = jnp.zeros((d,), jnp.float32)
    inp['p_g'] = jnp.ones((d,), jnp.float32)
    inp['p_bn'] = jnp.zeros((d,), jnp.float32)
    inp['r_w'] = jax.random.normal(ks[3], (d, d), dtype=jnp.float32) * 0.05
    inp['r_b'] = jnp.zeros((d,), jnp.float32)
    inp['r_g'] = jnp.ones((d,), jnp.float32)
    inp['r_bn'] = jnp.zeros((d,), jnp.float32)
    inp['e1_w'] = jax.random.normal(ks[4], (d4, 2 * d4), dtype=jnp.float32) * 0.05
    inp['e1_b'] = jnp.zeros((d4,), jnp.float32)
    inp['e2_w'] = jax.random.normal(ks[5], (1, d4), dtype=jnp.float32) * 0.05
    inp['e2_b'] = jnp.zeros((1,), jnp.float32)
    inp['gamma'] = jnp.ones((1,), jnp.float32)
    inp['beta'] = jnp.zeros((1,), jnp.float32)
    return inp

def _forward(x_in, f_w, f_b, f_g, f_bn, p_w, p_b, p_g, p_bn, r_w, r_b, r_g, r_bn, e1_w, e1_b, e2_w, e2_b, gamma, beta):
    Bb, C, Hh, Ww = x_in.shape
    residual = groupnorm1(conv1x1(x_in, r_w, r_b), r_g, r_bn)
    Wg = WSZ
    Hg = WSZ
    w = Hh // Wg
    h = Ww // Hg
    x = x_in.reshape(Bb, C, Wg, w, Hg, h).transpose(0, 2, 4, 1, 3, 5).reshape(Bb * Wg * Hg, C, w, h)
    f = groupnorm1(conv1x1(x, f_w, f_b), f_g, f_bn)
    Bp, Cf, Hp, Wp = f.shape
    N = Hp * Wp
    x_flat = jnp.transpose(f.reshape(Bp, Cf, N), (0, 2, 1))
    gi, gj = jnp.meshgrid(jnp.arange(Hp), jnp.arange(Wp), indexing='ij')
    grid = jnp.stack([gi, gj], axis=-1).astype(jnp.float32).reshape(N, 2)
    grid = (grid - jnp.mean(grid, axis=0)) / (jnp.std(grid, axis=0, ddof=1) + 1e-05)
    x_aug = jnp.concatenate([x_flat, jnp.broadcast_to(grid[None], (Bp, N, 2))], axis=-1)
    nrm = jnp.linalg.norm(x_aug, axis=-1, keepdims=True)
    xn = x_aug / jnp.maximum(nrm, 1e-08)
    sim = jnp.einsum('bnc,bmc->bnm', xn, xn)
    sim = jnp.where(jnp.eye(N, dtype=bool)[None], -jnp.inf, sim)
    _vals, topk_idx = jax.lax.top_k(sim, K)
    row = jnp.broadcast_to(jnp.arange(N)[None, :, None], (Bp, N, K)).reshape(-1)
    col = topk_idx.reshape(-1)
    off = jnp.broadcast_to((jnp.arange(Bp) * N)[:, None, None], (Bp, N, K)).reshape(-1)
    src = row + off
    dst = col + off
    nodes = x_flat.reshape(Bp * N, Cf)
    msg = nodes[dst]
    edge_feat = jnp.concatenate([nodes[src], nodes[dst]], axis=-1)
    hdn = jax.nn.silu(edge_feat @ e1_w.T + e1_b)
    wts = jax.nn.sigmoid(hdn @ e2_w.T + e2_b)[:, 0]
    out = jax.ops.segment_sum(msg * wts[:, None], src, num_segments=Bp * N)
    out = out * gamma + nodes * beta
    out = jnp.transpose(out.reshape(Bp, Hp, Wp, Cf), (0, 3, 1, 2))
    out = out.reshape(Bb, Wg, Hg, Cf, Hp, Wp).transpose(0, 3, 1, 4, 2, 5).reshape(Bb, Cf, Wg * Hp, Hg * Wp)
    out = groupnorm1(conv1x1(out, p_w, p_b), p_g, p_bn) + residual
    return out

def reference(x_in, f_w, f_b, f_g, f_bn, p_w, p_b, p_g, p_bn, r_w, r_b, r_g, r_bn, e1_w, e1_b, e2_w, e2_b, gamma, beta):
    return _forward(x_in, f_w, f_b, f_g, f_bn, p_w, p_b, p_g, p_bn, r_w, r_b, r_g, r_bn, e1_w, e1_b, e2_w, e2_b, gamma, beta)

if __name__ == "__main__":
    import jax
    _d = setup_inputs()
    print(jax.jit(kernel)(*tuple(_d.values())))

</pallas_src>

<mosaic_0001>
module attributes {stable_mosaic.version = 14 : i64} {
  func.func @_patch_kernel(%arg0: i32, %arg1: memref<1x96x1024xf32, #tpu.memory_space<vmem>>, %arg2: memref<8x1024xf32, #tpu.memory_space<vmem>>, %arg3: memref<24x96xf32, #tpu.memory_space<vmem>>, %arg4: memref<24x1xf32, #tpu.memory_space<vmem>>, %arg5: memref<24x1xf32, #tpu.memory_space<vmem>>, %arg6: memref<24x1xf32, #tpu.memory_space<vmem>>, %arg7: memref<24x24xf32, #tpu.memory_space<vmem>>, %arg8: memref<24x24xf32, #tpu.memory_space<vmem>>, %arg9: memref<24x1xf32, #tpu.memory_space<vmem>>, %arg10: memref<24x1xf32, #tpu.memory_space<vmem>>, %arg11: memref<1x1xf32, #tpu.memory_space<vmem>>, %arg12: memref<1x1xf32, #tpu.memory_space<vmem>>, %arg13: memref<1x1xf32, #tpu.memory_space<vmem>>, %arg14: memref<96x24xf32, #tpu.memory_space<vmem>>, %arg15: memref<96x1xf32, #tpu.memory_space<vmem>>, %arg16: memref<96x96xf32, #tpu.memory_space<vmem>>, %arg17: memref<96x1xf32, #tpu.memory_space<vmem>>, %arg18: memref<1x96x1024xf32, #tpu.memory_space<vmem>>, %arg19: memref<1x96x1024xf32, #tpu.memory_space<vmem>>, %arg20: memref<1x8x128xf32, #tpu.memory_space<vmem>>) attributes {dimension_semantics = [#tpu.dimension_semantics<arbitrary>], iteration_bounds = array<i64: 98>, scalar_prefetch = 0 : i64, scratch_operands = 0 : i64, tpu.core_type = #tpu.core_type<tc>, window_params = [{transform_indices = @transform_0, window_bounds = array<i64: 1, 96, 1024>}, {pipeline_mode = #tpu.pipeline_mode<synchronous>, transform_indices = @transform_1, window_bounds = array<i64: 8, 1024>}, {pipeline_mode = #tpu.pipeline_mode<synchronous>, transform_indices = @transform_2, window_bounds = array<i64: 24, 96>}, {pipeline_mode = #tpu.pipeline_mode<synchronous>, transform_indices = @transform_3, window_bounds = array<i64: 24, 1>}, {pipeline_mode = #tpu.pipeline_mode<synchronous>, transform_indices = @transform_4, window_bounds = array<i64: 24, 1>}, {pipeline_mode = #tpu.pipeline_mode<synchronous>, transform_indices = @transform_5, window_bounds = array<i64: 24, 1>}, {pipeline_mode = #tpu.pipeline_mode<synchronous>, transform_indices = @transform_6, window_bounds = array<i64: 24, 24>}, {pipeline_mode = #tpu.pipeline_mode<synchronous>, transform_indices = @transform_7, window_bounds = array<i64: 24, 24>}, {pipeline_mode = #tpu.pipeline_mode<synchronous>, transform_indices = @transform_8, window_bounds = array<i64: 24, 1>}, {pipeline_mode = #tpu.pipeline_mode<synchronous>, transform_indices = @transform_9, window_bounds = array<i64: 24, 1>}, {pipeline_mode = #tpu.pipeline_mode<synchronous>, transform_indices = @transform_10, window_bounds = array<i64: 1, 1>}, {pipeline_mode = #tpu.pipeline_mode<synchronous>, transform_indices = @transform_11, window_bounds = array<i64: 1, 1>}, {pipeline_mode = #tpu.pipeline_mode<synchronous>, transform_indices = @transform_12, window_bounds = array<i64: 1, 1>}, {pipeline_mode = #tpu.pipeline_mode<synchronous>, transform_indices = @transform_13, window_bounds = array<i64: 96, 24>}, {pipeline_mode = #tpu.pipeline_mode<synchronous>, transform_indices = @transform_14, window_bounds = array<i64: 96, 1>}, {pipeline_mode = #tpu.pipeline_mode<synchronous>, transform_indices = @transform_15, window_bounds = array<i64: 96, 96>}, {pipeline_mode = #tpu.pipeline_mode<synchronous>, transform_indices = @transform_16, window_bounds = array<i64: 96, 1>}, {transform_indices = @transform_17, window_bounds = array<i64: 1, 96, 1024>}, {transform_indices = @transform_18, window_bounds = array<i64: 1, 96, 1024>}, {transform_indices = @transform_19, window_bounds = array<i64: 1, 8, 128>}]} {
    %get3A = arith.constant 0 : index
    %get3A_0 = arith.constant 0 : index
    %get3A_1 = arith.constant 0 : index
    %get3A_2 = vector.load %arg1[%get3A, %get3A_0, %get3A_1] : memref<1x96x1024xf32, #tpu.memory_space<vmem>>, vector<1x96x1024xf32>
    %get3A_3 = vector.shape_cast %get3A_2 : vector<1x96x1024xf32> to vector<96x1024xf32>
    %get3A_4 = arith.constant 0 : index
    %get3A_5 = arith.constant 0 : index
    %get3A_6 = vector.load %arg16[%get3A_4, %get3A_5] : memref<96x96xf32, #tpu.memory_space<vmem>>, vector<96x96xf32>
    %dot_general3A = arith.constant dense<0.000000e+00> : vector<96x1024xf32>
    %dot_general3A_7 = tpu.matmul %get3A_6, %get3A_3, %dot_general3A {dimension_numbers = #tpu.dot_dimension_numbers<[1], [0], [0], [1], [0, 0, 1, 1], [], []>, transpose_lhs_hint = false} : vector<96x96xf32>, vector<96x1024xf32>, vector<96x1024xf32> -> vector<96x1024xf32>
    %get3A_8 = arith.constant 0 : index
    %get3A_9 = arith.constant 0 : index
    %get3A_10 = vector.load %arg17[%get3A_8, %get3A_9] : memref<96x1xf32, #tpu.memory_space<vmem>>, vector<96x1xf32>
    %add3A = vector.broadcast %get3A_10 : vector<96x1xf32> to vector<96x1024xf32>
    %add3A_11 = arith.addf %dot_general3A_7, %add3A : vector<96x1024xf32>
    %swap3A = arith.constant 0 : index
    %swap3A_12 = arith.constant 0 : index
    %swap3A_13 = arith.constant 0 : index
    %swap3A_14 = vector.load %arg19[%swap3A, %swap3A_12, %swap3A_13] : memref<1x96x1024xf32, #tpu.memory_space<vmem>>, vector<1x96x1024xf32>
    %swap3A_15 = vector.shape_cast %swap3A_14 : vector<1x96x1024xf32> to vector<96x1024xf32>
    %swap3A_16 = vector.shape_cast %add3A_11 : vector<96x1024xf32> to vector<1x96x1024xf32>
    tpu.vector_store %arg19[%swap3A, %swap3A_12, %swap3A_13], %swap3A_16 {strides = array<i32>} : memref<1x96x1024xf32, #tpu.memory_space<vmem>>, vector<1x96x1024xf32>,
    %get3A_17 = arith.constant 0 : index
    %get3A_18 = arith.constant 0 : index
    %get3A_19 = vector.load %arg3[%get3A_17, %get3A_18] : memref<24x96xf32, #tpu.memory_space<vmem>>, vector<24x96xf32>
    %dot_general3A_20 = arith.constant dense<0.000000e+00> : vector<24x1024xf32>
    %dot_general3A_21 = tpu.matmul %get3A_19, %get3A_3, %dot_general3A_20 {dimension_numbers = #tpu.dot_dimension_numbers<[1], [0], [0], [1], [0, 0, 1, 1], [], []>, transpose_lhs_hint = false} : vector<24x96xf32>, vector<96x1024xf32>, vector<24x1024xf32> -> vector<24x1024xf32>
    %get3A_22 = arith.constant 0 : index
    %get3A_23 = arith.constant 0 : index
    %get3A_24 = vector.load %arg4[%get3A_22, %get3A_23] : memref<24x1xf32, #tpu.memory_space<vmem>>, vector<24x1xf32>
    %add3A_25 = vector.broadcast %get3A_24 : vector<24x1xf32> to vector<24x1024xf32>
    %add3A_26 = arith.addf %dot_general3A_21, %add3A_25 : vector<24x1024xf32>
    %reduce_sum3A = vector.shape_cast %add3A_26 : vector<24x1024xf32> to vector<1x24x1024xf32>
    %reduce_sum3A_27 = arith.constant dense<0.000000e+00> : vector<1xf32>
    %reduce_sum3A_28 = vector.multi_reduction <add>, %reduce_sum3A, %reduce_sum3A_27 [1, 2] : vector<1x24x1024xf32> to vector<1xf32>
    %reduce_sum3A_29 = vector.shape_cast %reduce_sum3A_28 : vector<1xf32> to vector<1x1x1xf32>
    %reduce_sum3A_30 = vector.extract %reduce_sum3A_29[0, 0, 0] : f32 from vector<1x1x1xf32>
    %div3A = arith.constant 2.457600e+04 : f32
    %div3A_31 = arith.divf %reduce_sum3A_30, %div3A : f32
    %sub3A = vector.broadcast %div3A_31 : f32 to vector<24x1024xf32>
    %sub3A_32 = arith.subf %add3A_26, %sub3A : vector<24x1024xf32>
    %integer_pow3A = arith.mulf %sub3A_32, %sub3A_32 : vector<24x1024xf32>
    %reduce_sum3A_33 = vector.shape_cast %integer_pow3A : vector<24x1024xf32> to vector<1x24x1024xf32>
    %reduce_sum3A_34 = arith.constant dense<0.000000e+00> : vector<1xf32>
    %reduce_sum3A_35 = vector.multi_reduction <add>, %reduce_sum3A_33, %reduce_sum3A_34 [1, 2] : vector<1x24x1024xf32> to vector<1xf32>
    %reduce_sum3A_36 = vector.shape_cast %reduce_sum3A_35 : vector<1xf32> to vector<1x1x1xf32>
    %reduce_sum3A_37 = vector.extract %reduce_sum3A_36[0, 0, 0] : f32 from vector<1x1x1xf32>
    %div3A_38 = arith.constant 2.457600e+04 : f32
    %div3A_39 = arith.divf %reduce_sum3A_37, %div3A_38 : f32
    %sub3A_40 = vector.broadcast %div3A_31 : f32 to vector<24x1024xf32>
    %sub3A_41 = arith.subf %add3A_26, %sub3A_40 : vector<24x1024xf32>
    %add3A_42 = arith.constant 9.99999974E-6 : f32
    %add3A_43 = arith.addf %div3A_39, %add3A_42 : f32
    %rsqrt3A = math.rsqrt %add3A_43 : f32
    %mul3A = vector.broadcast %rsqrt3A : f32 to vector<24x1024xf32>
    %mul3A_44 = arith.mulf %sub3A_41, %mul3A : vector<24x1024xf32>
    %get3A_45 = arith.constant 0 : index
    %get3A_46 = arith.constant 0 : index
    %get3A_47 = vector.load %arg5[%get3A_45, %get3A_46] : memref<24x1xf32, #tpu.memory_space<vmem>>, vector<24x1xf32>
    %mul3A_48 = vector.broadcast %get3A_47 : vector<24x1xf32> to vector<24x1024xf32>
    %mul3A_49 = arith.mulf %mul3A_44, %mul3A_48 : vector<24x1024xf32>
    %get3A_50 = arith.constant 0 : index
    %get3A_51 = arith.constant 0 : index
    %get3A_52 = vector.load %arg6[%get3A_50, %get3A_51] : memref<24x1xf32, #tpu.memory_space<vmem>>, vector<24x1xf32>
    %add3A_53 = vector.broadcast %get3A_52 : vector<24x1xf32> to vector<24x1024xf32>
    %add3A_54 = arith.addf %mul3A_49, %add3A_53 : vector<24x1024xf32>
    %get3A_55 = arith.constant 0 : index
    %get3A_56 = arith.constant 0 : index
    %get3A_57 = vector.load %arg2[%get3A_55, %get3A_56] : memref<8x1024xf32, #tpu.memory_space<vmem>>, vector<8x1024xf32>
    %concatenate3A = tpu.concatenate %add3A_54, %get3A_57 in 0 : vector<24x1024xf32>, vector<8x1024xf32> -> vector<32x1024xf32>
    %mul3A_58 = arith.mulf %concatenate3A, %concatenate3A : vector<32x1024xf32>
    %reduce_sum3A_59 = arith.constant dense<0.000000e+00> : vector<1024xf32>
    %reduce_sum3A_60 = vector.multi_reduction <add>, %mul3A_58, %reduce_sum3A_59 [0] : vector<32x1024xf32> to vector<1024xf32>
    %broadcast_in_dim3A = vector.shape_cast %reduce_sum3A_60 : vector<1024xf32> to vector<1x1024xf32>
    %sqrt3A = math.sqrt %broadcast_in_dim3A : vector<1x1024xf32>
    %max3A = arith.constant 9.99999993E-9 : f32
    %max3A_61 = vector.broadcast %max3A : f32 to vector<1x1024xf32>
    %max3A_62 = arith.maximumf %sqrt3A, %max3A_61 : vector<1x1024xf32>
    %div3A_63 = vector.broadcast %max3A_62 : vector<1x1024xf32> to vector<32x1024xf32>
    %div3A_64 = arith.divf %concatenate3A, %div3A_63 : vector<32x1024xf32>
    %dot_general3A_65 = arith.constant dense<0.000000e+00> : vector<1024x1024xf32>
    %dot_general3A_66 = tpu.matmul %div3A_64, %div3A_64, %dot_general3A_65 {dimension_numbers = #tpu.dot_dimension_numbers<[0], [0], [1], [1], [0, 1, 1, 1], [], []>, transpose_lhs_hint = false} : vector<32x1024xf32>, vector<32x1024xf32>, vector<1024x1024xf32> -> vector<1024x1024xf32>
    %iota3A = tpu.iota {dimensions = array<i32: 0>} : vector<1024x1024xi32>
    %iota3A_67 = tpu.iota {dimensions = array<i32: 1>} : vector<1024x1024xi32>
    %eq3A = arith.cmpi eq, %iota3A, %iota3A_67 : vector<1024x1024xi32>
    %jit3A = arith.constant -1.000000e+30 : f32
    %broadcast_in_dim3A_68 = vector.broadcast %jit3A : f32 to vector<1024x1024xf32>
    %select_n3A = arith.select %eq3A, %broadcast_in_dim3A_68, %dot_general3A_66 : vector<1024x1024xi1>, vector<1024x1024xf32>
    %get3A_69 = arith.constant 0 : index
    %get3A_70 = arith.constant 0 : index
    %get3A_71 = vector.load %arg7[%get3A_69, %get3A_70] : memref<24x24xf32, #tpu.memory_space<vmem>>, vector<24x24xf32>
    %dot_general3A_72 = arith.constant dense<0.000000e+00> : vector<24x1024xf32>
    %dot_general3A_73 = tpu.matmul %get3A_71, %add3A_54, %dot_general3A_72 {dimension_numbers = #tpu.dot_dimension_numbers<[1], [0], [0], [1], [0, 0, 1, 1], [], []>, transpose_lhs_hint = false} : vector<24x24xf32>, vector<24x1024xf32>, vector<24x1024xf32> -> vector<24x1024xf32>
    %get3A_74 = arith.constant 0 : index
    %get3A_75 = arith.constant 0 : index
    %get3A_76 = vector.load %arg9[%get3A_74, %get3A_75] : memref<24x1xf32, #tpu.memory_space<vmem>>, vector<24x1xf32>
    %add3A_77 = vector.broadcast %get3A_76 : vector<24x1xf32> to vector<24x1024xf32>
    %add3A_78 = arith.addf %dot_general3A_73, %add3A_77 : vector<24x1024xf32>
    %broadcast_in_dim3A_79 = arith.constant 0.000000e+00 : f32
    %broadcast_in_dim3A_80 = vector.broadcast %broadcast_in_dim3A_79 : f32 to vector<24x1024xf32>
    %argmax3A = tpu.reduce_index %select_n3A {axis = 1 : i32, kind = #tpu.reduction_kind<arg_max>} : vector<1024x1024xf32> -> vector<1024xi32>
    %broadcast_in_dim3A_81 = vector.shape_cast %argmax3A : vector<1024xi32> to vector<1024x1xi32>
    %eq3A_82 = vector.broadcast %broadcast_in_dim3A_81 : vector<1024x1xi32> to vector<1024x1024xi32>
    %eq3A_83 = arith.cmpi eq, %iota3A_67, %eq3A_82 : vector<1024x1024xi32>
    %convert_element_type3A = arith.extui %eq3A_83 : vector<1024x1024xi1> to vector<1024x1024xi32>
    %convert_element_type3A_84 = arith.sitofp %convert_element_type3A : vector<1024x1024xi32> to vector<1024x1024xf32>
    %dot_general3A_85 = arith.constant dense<0.000000e+00> : vector<24x1024xf32>
    %dot_general3A_86 = tpu.matmul %add3A_54, %convert_element_type3A_84, %dot_general3A_85 {dimension_numbers = #tpu.dot_dimension_numbers<[1], [1], [0], [0], [0, 0, 1, 0], [], []>, transpose_lhs_hint = false} : vector<24x1024xf32>, vector<1024x1024xf32>, vector<24x1024xf32> -> vector<24x1024xf32>
    %get3A_87 = arith.constant 0 : index
    %get3A_88 = arith.constant 0 : index
    %get3A_89 = vector.load %arg8[%get3A_87, %get3A_88] : memref<24x24xf32, #tpu.memory_space<vmem>>, vector<24x24xf32>
    %dot_general3A_90 = arith.constant dense<0.000000e+00> : vector<24x1024xf32>
    %dot_general3A_91 = tpu.matmul %get3A_89, %dot_general3A_86, %dot_general3A_90 {dimension_numbers = #tpu.dot_dimension_numbers<[1], [0], [0], [1], [0, 0, 1, 1], [], []>, transpose_lhs_hint = false} : vector<24x24xf32>, vector<24x1024xf32>, vector<24x1024xf32> -> vector<24x1024xf32>
    %add3A_92 = arith.addf %add3A_78, %dot_general3A_91 : vector<24x1024xf32>
    %logistic3A = arith.negf %add3A_92 : vector<24x1024xf32>
    %logistic3A_93 = math.exp %logistic3A : vector<24x1024xf32>
    %logistic3A_94 = arith.constant 1.000000e+00 : f32
    %logistic3A_95 = vector.broadcast %logistic3A_94 : f32 to vector<24x1024xf32>
    %logistic3A_96 = arith.addf %logistic3A_95, %logistic3A_93 : vector<24x1024xf32>
    %logistic3A_97 = arith.divf %logistic3A_95, %logistic3A_96 : vector<24x1024xf32>
    %mul3A_98 = arith.mulf %add3A_92, %logistic3A_97 : vector<24x1024xf32>
    %get3A_99 = arith.constant 0 : index
    %get3A_100 = arith.constant 0 : index
    %get3A_101 = vector.load %arg10[%get3A_99, %get3A_100] : memref<24x1xf32, #tpu.memory_space<vmem>>, vector<24x1xf32>
    %mul3A_102 = vector.broadcast %get3A_101 : vector<24x1xf32> to vector<24x1024xf32>
    %mul3A_103 = arith.mulf %mul3A_98, %mul3A_102 : vector<24x1024xf32>
    %reduce_sum3A_104 = arith.constant dense<0.000000e+00> : vector<1024xf32>
    %reduce_sum3A_105 = vector.multi_reduction <add>, %mul3A_103, %reduce_sum3A_104 [0] : vector<24x1024xf32> to vector<1024xf32>
    %broadcast_in_dim3A_106 = vector.shape_cast %reduce_sum3A_105 : vector<1024xf32> to vector<1x1024xf32>
    %get3A_107 = arith.constant 0 : index
    %get3A_108 = arith.constant 0 : index
    %get3A_109 = vector.load %arg11[%get3A_107, %get3A_108] : memref<1x1xf32, #tpu.memory_space<vmem>>, vector<1x1xf32>
    %add3A_110 = vector.broadcast %get3A_109 : vector<1x1xf32> to vector<1x1024xf32>
    %add3A_111 = arith.addf %broadcast_in_dim3A_106, %add3A_110 : vector<1x1024xf32>
    %logistic3A_112 = arith.negf %add3A_111 : vector<1x1024xf32>
    %logistic3A_113 = math.exp %logistic3A_112 : vector<1x1024xf32>
    %logistic3A_114 = arith.constant 1.000000e+00 : f32
    %logistic3A_115 = vector.broadcast %logistic3A_114 : f32 to vector<1x1024xf32>
    %logistic3A_116 = arith.addf %logistic3A_115, %logistic3A_113 : vector<1x1024xf32>
    %logistic3A_117 = arith.divf %logistic3A_115, %logistic3A_116 : vector<1x1024xf32>
    %mul3A_118 = vector.broadcast %logistic3A_117 : vector<1x1024xf32> to vector<24x1024xf32>
    %mul3A_119 = arith.mulf %dot_general3A_86, %mul3A_118 : vector<24x1024xf32>
    %add3A_120 = arith.addf %broadcast_in_dim3A_80, %mul3A_119 : vector<24x1024xf32>
    %jit3A_121 = arith.constant -1.000000e+30 : f32
    %broadcast_in_dim3A_122 = vector.broadcast %jit3A_121 : f32 to vector<1024x1024xf32>
    %select_n3A_123 = arith.select %eq3A_83, %broadcast_in_dim3A_122, %select_n3A : vector<1024x1024xi1>, vector<1024x1024xf32>
    %argmax3A_124 = tpu.reduce_index %select_n3A_123 {axis = 1 : i32, kind = #tpu.reduction_kind<arg_max>} : vector<1024x1024xf32> -> vector<1024xi32>
    %broadcast_in_dim3A_125 = vector.shape_cast %argmax3A_124 : vector<1024xi32> to vector<1024x1xi32>
    %eq3A_126 = vector.broadcast %broadcast_in_dim3A_125 : vector<1024x1xi32> to vector<1024x1024xi32>
    %eq3A_127 = arith.cmpi eq, %iota3A_67, %eq3A_126 : vector<1024x1024xi32>
    %convert_element_type3A_128 = arith.extui %eq3A_127 : vector<1024x1024xi1> to vector<1024x1024xi32>
    %convert_element_type3A_129 = arith.sitofp %convert_element_type3A_128 : vector<1024x1024xi32> to vector<1024x1024xf32>
    %dot_general3A_130 = arith.constant dense<0.000000e+00> : vector<24x1024xf32>
    %dot_general3A_131 = tpu.matmul %add3A_54, %convert_element_type3A_129, %dot_general3A_130 {dimension_numbers = #tpu.dot_dimension_numbers<[1], [1], [0], [0], [0, 0, 1, 0], [], []>, transpose_lhs_hint = false} : vector<24x1024xf32>, vector<1024x1024xf32>, vector<24x1024xf32> -> vector<24x1024xf32>
    %get3A_132 = arith.constant 0 : index
    %get3A_133 = arith.constant 0 : index
    %get3A_134 = vector.load %arg8[%get3A_132, %get3A_133] : memref<24x24xf32, #tpu.memory_space<vmem>>, vector<24x24xf32>
    %dot_general3A_135 = arith.constant dense<0.000000e+00> : vector<24x1024xf32>
    %dot_general3A_136 = tpu.matmul %get3A_134, %dot_general3A_131, %dot_general3A_135 {dimension_numbers = #tpu.dot_dimension_numbers<[1], [0], [0], [1], [0, 0, 1, 1], [], []>, transpose_lhs_hint = false} : vector<24x24xf32>, vector<24x1024xf32>, vector<24x1024xf32> -> vector<24x1024xf32>
    %add3A_137 = arith.addf %add3A_78, %dot_general3A_136 : vector<24x1024xf32>
    %logistic3A_138 = arith.negf %add3A_137 : vector<24x1024xf32>
    %logistic3A_139 = math.exp %logistic3A_138 : vector<24x1024xf32>
    %logistic3A_140 = arith.constant 1.000000e+00 : f32
    %logistic3A_141 = vector.broadcast %logistic3A_140 : f32 to vector<24x1024xf32>
    %logistic3A_142 = arith.addf %logistic3A_141, %logistic3A_139 : vector<24x1024xf32>
    %logistic3A_143 = arith.divf %logistic3A_141, %logistic3A_142 : vector<24x1024xf32>
    %mul3A_144 = arith.mulf %add3A_137, %logistic3A_143 : vector<24x1024xf32>
    %get3A_145 = arith.constant 0 : index
    %get3A_146 = arith.constant 0 : index
    %get3A_147 = vector.load %arg10[%get3A_145, %get3A_146] : memref<24x1xf32, #tpu.memory_space<vmem>>, vector<24x1xf32>
    %mul3A_148 = vector.broadcast %get3A_147 : vector<24x1xf32> to vector<24x1024xf32>
    %mul3A_149 = arith.mulf %mul3A_144, %mul3A_148 : vector<24x1024xf32>
    %reduce_sum3A_150 = arith.constant dense<0.000000e+00> : vector<1024xf32>
    %reduce_sum3A_151 = vector.multi_reduction <add>, %mul3A_149, %reduce_sum3A_150 [0] : vector<24x1024xf32> to vector<1024xf32>
    %broadcast_in_dim3A_152 = vector.shape_cast %reduce_sum3A_151 : vector<1024xf32> to vector<1x1024xf32>
    %get3A_153 = arith.constant 0 : index
    %get3A_154 = arith.constant 0 : index
    %get3A_155 = vector.load %arg11[%get3A_153, %get3A_154] : memref<1x1xf32, #tpu.memory_space<vmem>>, vector<1x1xf32>
    %add3A_156 = vector.broadcast %get3A_155 : vector<1x1xf32> to vector<1x1024xf32>
    %add3A_157 = arith.addf %broadcast_in_dim3A_152, %add3A_156 : vector<1x1024xf32>
    %logistic3A_158 = arith.negf %add3A_157 : vector<1x1024xf32>
    %logistic3A_159 = math.exp %logistic3A_158 : vector<1x1024xf32>
    %logistic3A_160 = arith.constant 1.000000e+00 : f32
    %logistic3A_161 = vector.broadcast %logistic3A_160 : f32 to vector<1x1024xf32>
    %logistic3A_162 = arith.addf %logistic3A_161, %logistic3A_159 : vector<1x1024xf32>
    %logistic3A_163 = arith.divf %logistic3A_161, %logistic3A_162 : vector<1x1024xf32>
    %mul3A_164 = vector.broadcast %logistic3A_163 : vector<1x1024xf32> to vector<24x1024xf32>
    %mul3A_165 = arith.mulf %dot_general3A_131, %mul3A_164 : vector<24x1024xf32>
    %add3A_166 = arith.addf %add3A_120, %mul3A_165 : vector<24x1024xf32>
    %jit3A_167 = arith.constant -1.000000e+30 : f32
    %broadcast_in_dim3A_168 = vector.broadcast %jit3A_167 : f32 to vector<1024x1024xf32>
    %select_n3A_169 = arith.select %eq3A_127, %broadcast_in_dim3A_168, %select_n3A_123 : vector<1024x1024xi1>, vector<1024x1024xf32>
    %argmax3A_170 = tpu.reduce_index %select_n3A_169 {axis = 1 : i32, kind = #tpu.reduction_kind<arg_max>} : vector<1024x1024xf32> -> vector<1024xi32>
    %broadcast_in_dim3A_171 = vector.shape_cast %argmax3A_170 : vector<1024xi32> to vector<1024x1xi32>
    %eq3A_172 = vector.broadcast %broadcast_in_dim3A_171 : vector<1024x1xi32> to vector<1024x1024xi32>
    %eq3A_173 = arith.cmpi eq, %iota3A_67, %eq3A_172 : vector<1024x1024xi32>
    %convert_element_type3A_174 = arith.extui %eq3A_173 : vector<1024x1024xi1> to vector<1024x1024xi32>
    %convert_element_type3A_175 = arith.sitofp %convert_element_type3A_174 : vector<1024x1024xi32> to vector<1024x1024xf32>
    %dot_general3A_176 = arith.constant dense<0.000000e+00> : vector<24x1024xf32>
    %dot_general3A_177 = tpu.matmul %add3A_54, %convert_element_type3A_175, %dot_general3A_176 {dimension_numbers = #tpu.dot_dimension_numbers<[1], [1], [0], [0], [0, 0, 1, 0], [], []>, transpose_lhs_hint = false} : vector<24x1024xf32>, vector<1024x1024xf32>, vector<24x1024xf32> -> vector<24x1024xf32>
    %get3A_178 = arith.constant 0 : index
    %get3A_179 = arith.constant 0 : index
    %get3A_180 = vector.load %arg8[%get3A_178, %get3A_179] : memref<24x24xf32, #tpu.memory_space<vmem>>, vector<24x24xf32>
    %dot_general3A_181 = arith.constant dense<0.000000e+00> : vector<24x1024xf32>
    %dot_general3A_182 = tpu.matmul %get3A_180, %dot_general3A_177, %dot_general3A_181 {dimension_numbers = #tpu.dot_dimension_numbers<[1], [0], [0], [1], [0, 0, 1, 1], [], []>, transpose_lhs_hint = false} : vector<24x24xf32>, vector<24x1024xf32>, vector<24x1024xf32> -> vector<24x1024xf32>
    %add3A_183 = arith.addf %add3A_78, %dot_general3A_182 : vector<24x1024xf32>
    %logistic3A_184 = arith.negf %add3A_183 : vector<24x1024xf32>
    %logistic3A_185 = math.exp %logistic3A_184 : vector<24x1024xf32>
    %logistic3A_186 = arith.constant 1.000000e+00 : f32
    %logistic3A_187 = vector.broadcast %logistic3A_186 : f32 to vector<24x1024xf32>
    %logistic3A_188 = arith.addf %logistic3A_187, %logistic3A_185 : vector<24x1024xf32>
    %logistic3A_189 = arith.divf %logistic3A_187, %logistic3A_188 : vector<24x1024xf32>
    %mul3A_190 = arith.mulf %add3A_183, %logistic3A_189 : vector<24x1024xf32>
    %get3A_191 = arith.constant 0 : index
    %get3A_192 = arith.constant 0 : index
    %get3A_193 = vector.load %arg10[%get3A_191, %get3A_192] : memref<24x1xf32, #tpu.memory_space<vmem>>, vector<24x1xf32>
    %mul3A_194 = vector.broadcast %get3A_193 : vector<24x1xf32> to vector<24x1024xf32>
    %mul3A_195 = arith.mulf %mul3A_190, %mul3A_194 : vector<24x1024xf32>
    %reduce_sum3A_196 = arith.constant dense<0.000000e+00> : vector<1024xf32>
    %reduce_sum3A_197 = vector.multi_reduction <add>, %mul3A_195, %reduce_sum3A_196 [0] : vector<24x1024xf32> to vector<1024xf32>
    %broadcast_in_dim3A_198 = vector.shape_cast %reduce_sum3A_197 : vector<1024xf32> to vector<1x1024xf32>
    %get3A_199 = arith.constant 0 : index
    %get3A_200 = arith.constant 0 : index
    %get3A_201 = vector.load %arg11[%get3A_199, %get3A_200] : memref<1x1xf32, #tpu.memory_space<vmem>>, vector<1x1xf32>
    %add3A_202 = vector.broadcast %get3A_201 : vector<1x1xf32> to vector<1x1024xf32>
    %add3A_203 = arith.addf %broadcast_in_dim3A_198, %add3A_202 : vector<1x1024xf32>
    %logistic3A_204 = arith.negf %add3A_203 : vector<1x1024xf32>
    %logistic3A_205 = math.exp %logistic3A_204 : vector<1x1024xf32>
    %logistic3A_206 = arith.constant 1.000000e+00 : f32
    %logistic3A_207 = vector.broadcast %logistic3A_206 : f32 to vector<1x1024xf32>
    %logistic3A_208 = arith.addf %logistic3A_207, %logistic3A_205 : vector<1x1024xf32>
    %logistic3A_209 = arith.divf %logistic3A_207, %logistic3A_208 : vector<1x1024xf32>
    %mul3A_210 = vector.broadcast %logistic3A_209 : vector<1x1024xf32> to vector<24x1024xf32>
    %mul3A_211 = arith.mulf %dot_general3A_177, %mul3A_210 : vector<24x1024xf32>
    %add3A_212 = arith.addf %add3A_166, %mul3A_211 : vector<24x1024xf32>
    %jit3A_213 = arith.constant -1.000000e+30 : f32
    %broadcast_in_dim3A_214 = vector.broadcast %jit3A_213 : f32 to vector<1024x1024xf32>
    %select_n3A_215 = arith.select %eq3A_173, %broadcast_in_dim3A_214, %select_n3A_169 : vector<1024x1024xi1>, vector<1024x1024xf32>
    %argmax3A_216 = tpu.reduce_index %select_n3A_215 {axis = 1 : i32, kind = #tpu.reduction_kind<arg_max>} : vector<1024x1024xf32> -> vector<1024xi32>
    %broadcast_in_dim3A_217 = vector.shape_cast %argmax3A_216 : vector<1024xi32> to vector<1024x1xi32>
    %eq3A_218 = vector.broadcast %broadcast_in_dim3A_217 : vector<1024x1xi32> to vector<1024x1024xi32>
    %eq3A_219 = arith.cmpi eq, %iota3A_67, %eq3A_218 : vector<1024x1024xi32>
    %convert_element_type3A_220 = arith.extui %eq3A_219 : vector<1024x1024xi1> to vector<1024x1024xi32>
    %convert_element_type3A_221 = arith.sitofp %convert_element_type3A_220 : vector<1024x1024xi32> to vector<1024x1024xf32>
    %dot_general3A_222 = arith.constant dense<0.000000e+00> : vector<24x1024xf32>
    %dot_general3A_223 = tpu.matmul %add3A_54, %convert_element_type3A_221, %dot_general3A_222 {dimension_numbers = #tpu.dot_dimension_numbers<[1], [1], [0], [0], [0, 0, 1, 0], [], []>, transpose_lhs_hint = false} : vector<24x1024xf32>, vector<1024x1024xf32>, vector<24x1024xf32> -> vector<24x1024xf32>
    %get3A_224 = arith.constant 0 : index
    %get3A_225 = arith.constant 0 : index
    %get3A_226 = vector.load %arg8[%get3A_224, %get3A_225] : memref<24x24xf32, #tpu.memory_space<vmem>>, vector<24x24xf32>
    %dot_general3A_227 = arith.constant dense<0.000000e+00> : vector<24x1024xf32>
    %dot_general3A_228 = tpu.matmul %get3A_226, %dot_general3A_223, %dot_general3A_227 {dimension_numbers = #tpu.dot_dimension_numbers<[1], [0], [0], [1], [0, 0, 1, 1], [], []>, transpose_lhs_hint = false} : vector<24x24xf32>, vector<24x1024xf32>, vector<24x1024xf32> -> vector<24x1024xf32>
    %add3A_229 = arith.addf %add3A_78, %dot_general3A_228 : vector<24x1024xf32>
    %logistic3A_230 = arith.negf %add3A_229 : vector<24x1024xf32>
    %logistic3A_231 = math.exp %logistic3A_230 : vector<24x1024xf32>
    %logistic3A_232 = arith.constant 1.000000e+00 : f32
    %logistic3A_233 = vector.broadcast %logistic3A_232 : f32 to vector<24x1024xf32>
    %logistic3A_234 = arith.addf %logistic3A_233, %logistic3A_231 : vector<24x1024xf32>
    %logistic3A_235 = arith.divf %logistic3A_233, %logistic3A_234 : vector<24x1024xf32>
    %mul3A_236 = arith.mulf %add3A_229, %logistic3A_235 : vector<24x1024xf32>
    %get3A_237 = arith.constant 0 : index
    %get3A_238 = arith.constant 0 : index
    %get3A_239 = vector.load %arg10[%get3A_237, %get3A_238] : memref<24x1xf32, #tpu.memory_space<vmem>>, vector<24x1xf32>
    %mul3A_240 = vector.broadcast %get3A_239 : vector<24x1xf32> to vector<24x1024xf32>
    %mul3A_241 = arith.mulf %mul3A_236, %mul3A_240 : vector<24x1024xf32>
    %reduce_sum3A_242 = arith.constant dense<0.000000e+00> : vector<1024xf32>
    %reduce_sum3A_243 = vector.multi_reduction <add>, %mul3A_241, %reduce_sum3A_242 [0] : vector<24x1024xf32> to vector<1024xf32>
    %broadcast_in_dim3A_244 = vector.shape_cast %reduce_sum3A_243 : vector<1024xf32> to vector<1x1024xf32>
    %get3A_245 = arith.constant 0 : index
    %get3A_246 = arith.constant 0 : index
    %get3A_247 = vector.load %arg11[%get3A_245, %get3A_246] : memref<1x1xf32, #tpu.memory_space<vmem>>, vector<1x1xf32>
    %add3A_248 = vector.broadcast %get3A_247 : vector<1x1xf32> to vector<1x1024xf32>
    %add3A_249 = arith.addf %broadcast_in_dim3A_244, %add3A_248 : vector<1x1024xf32>
    %logistic3A_250 = arith.negf %add3A_249 : vector<1x1024xf32>
    %logistic3A_251 = math.exp %logistic3A_250 : vector<1x1024xf32>
    %logistic3A_252 = arith.constant 1.000000e+00 : f32
    %logistic3A_253 = vector.broadcast %logistic3A_252 : f32 to vector<1x1024xf32>
    %logistic3A_254 = arith.addf %logistic3A_253, %logistic3A_251 : vector<1x1024xf32>
    %logistic3A_255 = arith.divf %logistic3A_253, %logistic3A_254 : vector<1x1024xf32>
    %mul3A_256 = vector.broadcast %logistic3A_255 : vector<1x1024xf32> to vector<24x1024xf32>
    %mul3A_257 = arith.mulf %dot_general3A_223, %mul3A_256 : vector<24x1024xf32>
    %add3A_258 = arith.addf %add3A_212, %mul3A_257 : vector<24x1024xf32>
    %jit3A_259 = arith.constant -1.000000e+30 : f32
    %broadcast_in_dim3A_260 = vector.broadcast %jit3A_259 : f32 to vector<1024x1024xf32>
    %select_n3A_261 = arith.select %eq3A_219, %broadcast_in_dim3A_260, %select_n3A_215 : vector<1024x1024xi1>, vector<1024x1024xf32>
    %argmax3A_262 = tpu.reduce_index %select_n3A_261 {axis = 1 : i32, kind = #tpu.reduction_kind<arg_max>} : vector<1024x1024xf32> -> vector<1024xi32>
    %broadcast_in_dim3A_263 = vector.shape_cast %argmax3A_262 : vector<1024xi32> to vector<1024x1xi32>
    %eq3A_264 = vector.broadcast %broadcast_in_dim3A_263 : vector<1024x1xi32> to vector<1024x1024xi32>
    %eq3A_265 = arith.cmpi eq, %iota3A_67, %eq3A_264 : vector<1024x1024xi32>
    %convert_element_type3A_266 = arith.extui %eq3A_265 : vector<1024x1024xi1> to vector<1024x1024xi32>
    %convert_element_type3A_267 = arith.sitofp %convert_element_type3A_266 : vector<1024x1024xi32> to vector<1024x1024xf32>
    %dot_general3A_268 = arith.constant dense<0.000000e+00> : vector<24x1024xf32>
    %dot_general3A_269 = tpu.matmul %add3A_54, %convert_element_type3A_267, %dot_general3A_268 {dimension_numbers = #tpu.dot_dimension_numbers<[1], [1], [0], [0], [0, 0, 1, 0], [], []>, transpose_lhs_hint = false} : vector<24x1024xf32>, vector<1024x1024xf32>, vector<24x1024xf32> -> vector<24x1024xf32>
    %get3A_270 = arith.constant 0 : index
    %get3A_271 = arith.constant 0 : index
    %get3A_272 = vector.load %arg8[%get3A_270, %get3A_271] : memref<24x24xf32, #tpu.memory_space<vmem>>, vector<24x24xf32>
    %dot_general3A_273 = arith.constant dense<0.000000e+00> : vector<24x1024xf32>
    %dot_general3A_274 = tpu.matmul %get3A_272, %dot_general3A_269, %dot_general3A_273 {dimension_numbers = #tpu.dot_dimension_numbers<[1], [0], [0], [1], [0, 0, 1, 1], [], []>, transpose_lhs_hint = false} : vector<24x24xf32>, vector<24x1024xf32>, vector<24x1024xf32> -> vector<24x1024xf32>
    %add3A_275 = arith.addf %add3A_78, %dot_general3A_274 : vector<24x1024xf32>
    %logistic3A_276 = arith.negf %add3A_275 : vector<24x1024xf32>
    %logistic3A_277 = math.exp %logistic3A_276 : vector<24x1024xf32>
    %logistic3A_278 = arith.constant 1.000000e+00 : f32
    %logistic3A_279 = vector.broadcast %logistic3A_278 : f32 to vector<24x1024xf32>
    %logistic3A_280 = arith.addf %logistic3A_279, %logistic3A_277 : vector<24x1024xf32>
    %logistic3A_281 = arith.divf %logistic3A_279, %logistic3A_280 : vector<24x1024xf32>
    %mul3A_282 = arith.mulf %add3A_275, %logistic3A_281 : vector<24x1024xf32>
    %get3A_283 = arith.constant 0 : index
    %get3A_284 = arith.constant 0 : index
    %get3A_285 = vector.load %arg10[%get3A_283, %get3A_284] : memref<24x1xf32, #tpu.memory_space<vmem>>, vector<24x1xf32>
    %mul3A_286 = vector.broadcast %get3A_285 : vector<24x1xf32> to vector<24x1024xf32>
    %mul3A_287 = arith.mulf %mul3A_282, %mul3A_286 : vector<24x1024xf32>
    %reduce_sum3A_288 = arith.constant dense<0.000000e+00> : vector<1024xf32>
    %reduce_sum3A_289 = vector.multi_reduction <add>, %mul3A_287, %reduce_sum3A_288 [0] : vector<24x1024xf32> to vector<1024xf32>
    %broadcast_in_dim3A_290 = vector.shape_cast %reduce_sum3A_289 : vector<1024xf32> to vector<1x1024xf32>
    %get3A_291 = arith.constant 0 : index
    %get3A_292 = arith.constant 0 : index
    %get3A_293 = vector.load %arg11[%get3A_291, %get3A_292] : memref<1x1xf32, #tpu.memory_space<vmem>>, vector<1x1xf32>
    %add3A_294 = vector.broadcast %get3A_293 : vector<1x1xf32> to vector<1x1024xf32>
    %add3A_295 = arith.addf %broadcast_in_dim3A_290, %add3A_294 : vector<1x1024xf32>
    %logistic3A_296 = arith.negf %add3A_295 : vector<1x1024xf32>
    %logistic3A_297 = math.exp %logistic3A_296 : vector<1x1024xf32>
    %logistic3A_298 = arith.constant 1.000000e+00 : f32
    %logistic3A_299 = vector.broadcast %logistic3A_298 : f32 to vector<1x1024xf32>
    %logistic3A_300 = arith.addf %logistic3A_299, %logistic3A_297 : vector<1x1024xf32>
    %logistic3A_301 = arith.divf %logistic3A_299, %logistic3A_300 : vector<1x1024xf32>
    %mul3A_302 = vector.broadcast %logistic3A_301 : vector<1x1024xf32> to vector<24x1024xf32>
    %mul3A_303 = arith.mulf %dot_general3A_269, %mul3A_302 : vector<24x1024xf32>
    %add3A_304 = arith.addf %add3A_258, %mul3A_303 : vector<24x1024xf32>
    %jit3A_305 = arith.constant -1.000000e+30 : f32
    %broadcast_in_dim3A_306 = vector.broadcast %jit3A_305 : f32 to vector<1024x1024xf32>
    %select_n3A_307 = arith.select %eq3A_265, %broadcast_in_dim3A_306, %select_n3A_261 : vector<1024x1024xi1>, vector<1024x1024xf32>
    %argmax3A_308 = tpu.reduce_index %select_n3A_307 {axis = 1 : i32, kind = #tpu.reduction_kind<arg_max>} : vector<1024x1024xf32> -> vector<1024xi32>
    %broadcast_in_dim3A_309 = vector.shape_cast %argmax3A_308 : vector<1024xi32> to vector<1024x1xi32>
    %eq3A_310 = vector.broadcast %broadcast_in_dim3A_309 : vector<1024x1xi32> to vector<1024x1024xi32>
    %eq3A_311 = arith.cmpi eq, %iota3A_67, %eq3A_310 : vector<1024x1024xi32>
    %convert_element_type3A_312 = arith.extui %eq3A_311 : vector<1024x1024xi1> to vector<1024x1024xi32>
    %convert_element_type3A_313 = arith.sitofp %convert_element_type3A_312 : vector<1024x1024xi32> to vector<1024x1024xf32>
    %dot_general3A_314 = arith.constant dense<0.000000e+00> : vector<24x1024xf32>
    %dot_general3A_315 = tpu.matmul %add3A_54, %convert_element_type3A_313, %dot_general3A_314 {dimension_numbers = #tpu.dot_dimension_numbers<[1], [1], [0], [0], [0, 0, 1, 0], [], []>, transpose_lhs_hint = false} : vector<24x1024xf32>, vector<1024x1024xf32>, vector<24x1024xf32> -> vector<24x1024xf32>
    %get3A_316 = arith.constant 0 : index
    %get3A_317 = arith.constant 0 : index
    %get3A_318 = vector.load %arg8[%get3A_316, %get3A_317] : memref<24x24xf32, #tpu.memory_space<vmem>>, vector<24x24xf32>
    %dot_general3A_319 = arith.constant dense<0.000000e+00> : vector<24x1024xf32>
    %dot_general3A_320 = tpu.matmul %get3A_318, %dot_general3A_315, %dot_general3A_319 {dimension_numbers = #tpu.dot_dimension_numbers<[1], [0], [0], [1], [0, 0, 1, 1], [], []>, transpose_lhs_hint = false} : vector<24x24xf32>, vector<24x1024xf32>, vector<24x1024xf32> -> vector<24x1024xf32>
    %add3A_321 = arith.addf %add3A_78, %dot_general3A_320 : vector<24x1024xf32>
    %logistic3A_322 = arith.negf %add3A_321 : vector<24x1024xf32>
    %logistic3A_323 = math.exp %logistic3A_322 : vector<24x1024xf32>
    %logistic3A_324 = arith.constant 1.000000e+00 : f32
    %logistic3A_325 = vector.broadcast %logistic3A_324 : f32 to vector<24x1024xf32>
    %logistic3A_326 = arith.addf %logistic3A_325, %logistic3A_323 : vector<24x1024xf32>
    %logistic3A_327 = arith.divf %logistic3A_325, %logistic3A_326 : vector<24x1024xf32>
    %mul3A_328 = arith.mulf %add3A_321, %logistic3A_327 : vector<24x1024xf32>
    %get3A_329 = arith.constant 0 : index
    %get3A_330 = arith.constant 0 : index
    %get3A_331 = vector.load %arg10[%get3A_329, %get3A_330] : memref<24x1xf32, #tpu.memory_space<vmem>>, vector<24x1xf32>
    %mul3A_332 = vector.broadcast %get3A_331 : vector<24x1xf32> to vector<24x1024xf32>
    %mul3A_333 = arith.mulf %mul3A_328, %mul3A_332 : vector<24x1024xf32>
    %reduce_sum3A_334 = arith.constant dense<0.000000e+00> : vector<1024xf32>
    %reduce_sum3A_335 = vector.multi_reduction <add>, %mul3A_333, %reduce_sum3A_334 [0] : vector<24x1024xf32> to vector<1024xf32>
    %broadcast_in_dim3A_336 = vector.shape_cast %reduce_sum3A_335 : vector<1024xf32> to vector<1x1024xf32>
    %get3A_337 = arith.constant 0 : index
    %get3A_338 = arith.constant 0 : index
    %get3A_339 = vector.load %arg11[%get3A_337, %get3A_338] : memref<1x1xf32, #tpu.memory_space<vmem>>, vector<1x1xf32>
    %add3A_340 = vector.broadcast %get3A_339 : vector<1x1xf32> to vector<1x1024xf32>
    %add3A_341 = arith.addf %broadcast_in_dim3A_336, %add3A_340 : vector<1x1024xf32>
    %logistic3A_342 = arith.negf %add3A_341 : vector<1x1024xf32>
    %logistic3A_343 = math.exp %logistic3A_342 : vector<1x1024xf32>
    %logistic3A_344 = arith.constant 1.000000e+00 : f32
    %logistic3A_345 = vector.broadcast %logistic3A_344 : f32 to vector<1x1024xf32>
    %logistic3A_346 = arith.addf %logistic3A_345, %logistic3A_343 : vector<1x1024xf32>
    %logistic3A_347 = arith.divf %logistic3A_345, %logistic3A_346 : vector<1x1024xf32>
    %mul3A_348 = vector.broadcast %logistic3A_347 : vector<1x1024xf32> to vector<24x1024xf32>
    %mul3A_349 = arith.mulf %dot_general3A_315, %mul3A_348 : vector<24x1024xf32>
    %add3A_350 = arith.addf %add3A_304, %mul3A_349 : vector<24x1024xf32>
    %jit3A_351 = arith.constant -1.000000e+30 : f32
    %broadcast_in_dim3A_352 = vector.broadcast %jit3A_351 : f32 to vector<1024x1024xf32>
    %select_n3A_353 = arith.select %eq3A_311, %broadcast_in_dim3A_352, %select_n3A_307 : vector<1024x1024xi1>, vector<1024x1024xf32>
    %argmax3A_354 = tpu.reduce_index %select_n3A_353 {axis = 1 : i32, kind = #tpu.reduction_kind<arg_max>} : vector<1024x1024xf32> -> vector<1024xi32>
    %broadcast_in_dim3A_355 = vector.shape_cast %argmax3A_354 : vector<1024xi32> to vector<1024x1xi32>
    %eq3A_356 = vector.broadcast %broadcast_in_dim3A_355 : vector<1024x1xi32> to vector<1024x1024xi32>
    %eq3A_357 = arith.cmpi eq, %iota3A_67, %eq3A_356 : vector<1024x1024xi32>
    %convert_element_type3A_358 = arith.extui %eq3A_357 : vector<1024x1024xi1> to vector<1024x1024xi32>
    %convert_element_type3A_359 = arith.sitofp %convert_element_type3A_358 : vector<1024x1024xi32> to vector<1024x1024xf32>
    %dot_general3A_360 = arith.constant dense<0.000000e+00> : vector<24x1024xf32>
    %dot_general3A_361 = tpu.matmul %add3A_54, %convert_element_type3A_359, %dot_general3A_360 {dimension_numbers = #tpu.dot_dimension_numbers<[1], [1], [0], [0], [0, 0, 1, 0], [], []>, transpose_lhs_hint = false} : vector<24x1024xf32>, vector<1024x1024xf32>, vector<24x1024xf32> -> vector<24x1024xf32>
    %get3A_362 = arith.constant 0 : index
    %get3A_363 = arith.constant 0 : index
    %get3A_364 = vector.load %arg8[%get3A_362, %get3A_363] : memref<24x24xf32, #tpu.memory_space<vmem>>, vector<24x24xf32>
    %dot_general3A_365 = arith.constant dense<0.000000e+00> : vector<24x1024xf32>
    %dot_general3A_366 = tpu.matmul %get3A_364, %dot_general3A_361, %dot_general3A_365 {dimension_numbers = #tpu.dot_dimension_numbers<[1], [0], [0], [1], [0, 0, 1, 1], [], []>, transpose_lhs_hint = false} : vector<24x24xf32>, vector<24x1024xf32>, vector<24x1024xf32> -> vector<24x1024xf32>
    %add3A_367 = arith.addf %add3A_78, %dot_general3A_366 : vector<24x1024xf32>
    %logistic3A_368 = arith.negf %add3A_367 : vector<24x1024xf32>
    %logistic3A_369 = math.exp %logistic3A_368 : vector<24x1024xf32>
    %logistic3A_370 = arith.constant 1.000000e+00 : f32
    %logistic3A_371 = vector.broadcast %logistic3A_370 : f32 to vector<24x1024xf32>
    %logistic3A_372 = arith.addf %logistic3A_371, %logistic3A_369 : vector<24x1024xf32>
    %logistic3A_373 = arith.divf %logistic3A_371, %logistic3A_372 : vector<24x1024xf32>
    %mul3A_374 = arith.mulf %add3A_367, %logistic3A_373 : vector<24x1024xf32>
    %get3A_375 = arith.constant 0 : index
    %get3A_376 = arith.constant 0 : index
    %get3A_377 = vector.load %arg10[%get3A_375, %get3A_376] : memref<24x1xf32, #tpu.memory_space<vmem>>, vector<24x1xf32>
    %mul3A_378 = vector.broadcast %get3A_377 : vector<24x1xf32> to vector<24x1024xf32>
    %mul3A_379 = arith.mulf %mul3A_374, %mul3A_378 : vector<24x1024xf32>
    %reduce_sum3A_380 = arith.constant dense<0.000000e+00> : vector<1024xf32>
    %reduce_sum3A_381 = vector.multi_reduction <add>, %mul3A_379, %reduce_sum3A_380 [0] : vector<24x1024xf32> to vector<1024xf32>
    %broadcast_in_dim3A_382 = vector.shape_cast %reduce_sum3A_381 : vector<1024xf32> to vector<1x1024xf32>
    %get3A_383 = arith.constant 0 : index
    %get3A_384 = arith.constant 0 : index
    %get3A_385 = vector.load %arg11[%get3A_383, %get3A_384] : memref<1x1xf32, #tpu.memory_space<vmem>>, vector<1x1xf32>
    %add3A_386 = vector.broadcast %get3A_385 : vector<1x1xf32> to vector<1x1024xf32>
    %add3A_387 = arith.addf %broadcast_in_dim3A_382, %add3A_386 : vector<1x1024xf32>
    %logistic3A_388 = arith.negf %add3A_387 : vector<1x1024xf32>
    %logistic3A_389 = math.exp %logistic3A_388 : vector<1x1024xf32>
    %logistic3A_390 = arith.constant 1.000000e+00 : f32
    %logistic3A_391 = vector.broadcast %logistic3A_390 : f32 to vector<1x1024xf32>
    %logistic3A_392 = arith.addf %logistic3A_391, %logistic3A_389 : vector<1x1024xf32>
    %logistic3A_393 = arith.divf %logistic3A_391, %logistic3A_392 : vector<1x1024xf32>
    %mul3A_394 = vector.broadcast %logistic3A_393 : vector<1x1024xf32> to vector<24x1024xf32>
    %mul3A_395 = arith.mulf %dot_general3A_361, %mul3A_394 : vector<24x1024xf32>
    %add3A_396 = arith.addf %add3A_350, %mul3A_395 : vector<24x1024xf32>
    %jit3A_397 = arith.constant -1.000000e+30 : f32
    %broadcast_in_dim3A_398 = vector.broadcast %jit3A_397 : f32 to vector<1024x1024xf32>
    %select_n3A_399 = arith.select %eq3A_357, %broadcast_in_dim3A_398, %select_n3A_353 : vector<1024x1024xi1>, vector<1024x1024xf32>
    %argmax3A_400 = tpu.reduce_index %select_n3A_399 {axis = 1 : i32, kind = #tpu.reduction_kind<arg_max>} : vector<1024x1024xf32> -> vector<1024xi32>
    %broadcast_in_dim3A_401 = vector.shape_cast %argmax3A_400 : vector<1024xi32> to vector<1024x1xi32>
    %eq3A_402 = vector.broadcast %broadcast_in_dim3A_401 : vector<1024x1xi32> to vector<1024x1024xi32>
    %eq3A_403 = arith.cmpi eq, %iota3A_67, %eq3A_402 : vector<1024x1024xi32>
    %convert_element_type3A_404 = arith.extui %eq3A_403 : vector<1024x1024xi1> to vector<1024x1024xi32>
    %convert_element_type3A_405 = arith.sitofp %convert_element_type3A_404 : vector<1024x1024xi32> to vector<1024x1024xf32>
    %dot_general3A_406 = arith.constant dense<0.000000e+00> : vector<24x1024xf32>
    %dot_general3A_407 = tpu.matmul %add3A_54, %convert_element_type3A_405, %dot_general3A_406 {dimension_numbers = #tpu.dot_dimension_numbers<[1], [1], [0], [0], [0, 0, 1, 0], [], []>, transpose_lhs_hint = false} : vector<24x1024xf32>, vector<1024x1024xf32>, vector<24x1024xf32> -> vector<24x1024xf32>
    %get3A_408 = arith.constant 0 : index
    %get3A_409 = arith.constant 0 : index
    %get3A_410 = vector.load %arg8[%get3A_408, %get3A_409] : memref<24x24xf32, #tpu.memory_space<vmem>>, vector<24x24xf32>
    %dot_general3A_411 = arith.constant dense<0.000000e+00> : vector<24x1024xf32>
    %dot_general3A_412 = tpu.matmul %get3A_410, %dot_general3A_407, %dot_general3A_411 {dimension_numbers = #tpu.dot_dimension_numbers<[1], [0], [0], [1], [0, 0, 1, 1], [], []>, transpose_lhs_hint = false} : vector<24x24xf32>, vector<24x1024xf32>, vector<24x1024xf32> -> vector<24x1024xf32>
    %add3A_413 = arith.addf %add3A_78, %dot_general3A_412 : vector<24x1024xf32>
    %logistic3A_414 = arith.negf %add3A_413 : vector<24x1024xf32>
    %logistic3A_415 = math.exp %logistic3A_414 : vector<24x1024xf32>
    %logistic3A_416 = arith.constant 1.000000e+00 : f32
    %logistic3A_417 = vector.broadcast %logistic3A_416 : f32 to vector<24x1024xf32>
    %logistic3A_418 = arith.addf %logistic3A_417, %logistic3A_415 : vector<24x1024xf32>
    %logistic3A_419 = arith.divf %logistic3A_417, %logistic3A_418 : vector<24x1024xf32>
    %mul3A_420 = arith.mulf %add3A_413, %logistic3A_419 : vector<24x1024xf32>
    %get3A_421 = arith.constant 0 : index
    %get3A_422 = arith.constant 0 : index
    %get3A_423 = vector.load %arg10[%get3A_421, %get3A_422] : memref<24x1xf32, #tpu.memory_space<vmem>>, vector<24x1xf32>
    %mul3A_424 = vector.broadcast %get3A_423 : vector<24x1xf32> to vector<24x1024xf32>
    %mul3A_425 = arith.mulf %mul3A_420, %mul3A_424 : vector<24x1024xf32>
    %reduce_sum3A_426 = arith.constant dense<0.000000e+00> : vector<1024xf32>
    %reduce_sum3A_427 = vector.multi_reduction <add>, %mul3A_425, %reduce_sum3A_426 [0] : vector<24x1024xf32> to vector<1024xf32>
    %broadcast_in_dim3A_428 = vector.shape_cast %reduce_sum3A_427 : vector<1024xf32> to vector<1x1024xf32>
    %get3A_429 = arith.constant 0 : index
    %get3A_430 = arith.constant 0 : index
    %get3A_431 = vector.load %arg11[%get3A_429, %get3A_430] : memref<1x1xf32, #tpu.memory_space<vmem>>, vector<1x1xf32>
    %add3A_432 = vector.broadcast %get3A_431 : vector<1x1xf32> to vector<1x1024xf32>
    %add3A_433 = arith.addf %broadcast_in_dim3A_428, %add3A_432 : vector<1x1024xf32>
    %logistic3A_434 = arith.negf %add3A_433 : vector<1x1024xf32>
    %logistic3A_435 = math.exp %logistic3A_434 : vector<1x1024xf32>
    %logistic3A_436 = arith.constant 1.000000e+00 : f32
    %logistic3A_437 = vector.broadcast %logistic3A_436 : f32 to vector<1x1024xf32>
    %logistic3A_438 = arith.addf %logistic3A_437, %logistic3A_435 : vector<1x1024xf32>
    %logistic3A_439 = arith.divf %logistic3A_437, %logistic3A_438 : vector<1x1024xf32>
    %mul3A_440 = vector.broadcast %logistic3A_439 : vector<1x1024xf32> to vector<24x1024xf32>
    %mul3A_441 = arith.mulf %dot_general3A_407, %mul3A_440 : vector<24x1024xf32>
    %add3A_442 = arith.addf %add3A_396, %mul3A_441 : vector<24x1024xf32>
    %jit3A_443 = arith.constant -1.000000e+30 : f32
    %broadcast_in_dim3A_444 = vector.broadcast %jit3A_443 : f32 to vector<1024x1024xf32>
    %select_n3A_445 = arith.select %eq3A_403, %broadcast_in_dim3A_444, %select_n3A_399 : vector<1024x1024xi1>, vector<1024x1024xf32>
    %argmax3A_446 = tpu.reduce_index %select_n3A_445 {axis = 1 : i32, kind = #tpu.reduction_kind<arg_max>} : vector<1024x1024xf32> -> vector<1024xi32>
    %broadcast_in_dim3A_447 = vector.shape_cast %argmax3A_446 : vector<1024xi32> to vector<1024x1xi32>
    %eq3A_448 = vector.broadcast %broadcast_in_dim3A_447 : vector<1024x1xi32> to vector<1024x1024xi32>
    %eq3A_449 = arith.cmpi eq, %iota3A_67, %eq3A_448 : vector<1024x1024xi32>
    %convert_element_type3A_450 = arith.extui %eq3A_449 : vector<1024x1024xi1> to vector<1024x1024xi32>
    %convert_element_type3A_451 = arith.sitofp %convert_element_type3A_450 : vector<1024x1024xi32> to vector<1024x1024xf32>
    %dot_general3A_452 = arith.constant dense<0.000000e+00> : vector<24x1024xf32>
    %dot_general3A_453 = tpu.matmul %add3A_54, %convert_element_type3A_451, %dot_general3A_452 {dimension_numbers = #tpu.dot_dimension_numbers<[1], [1], [0], [0], [0, 0, 1, 0], [], []>, transpose_lhs_hint = false} : vector<24x1024xf32>, vector<1024x1024xf32>, vector<24x1024xf32> -> vector<24x1024xf32>
    %get3A_454 = arith.constant 0 : index
    %get3A_455 = arith.constant 0 : index
    %get3A_456 = vector.load %arg8[%get3A_454, %get3A_455] : memref<24x24xf32, #tpu.memory_space<vmem>>, vector<24x24xf32>
    %dot_general3A_457 = arith.constant dense<0.000000e+00> : vector<24x1024xf32>
    %dot_general3A_458 = tpu.matmul %get3A_456, %dot_general3A_453, %dot_general3A_457 {dimension_numbers = #tpu.dot_dimension_numbers<[1], [0], [0], [1], [0, 0, 1, 1], [], []>, transpose_lhs_hint = false} : vector<24x24xf32>, vector<24x1024xf32>, vector<24x1024xf32> -> vector<24x1024xf32>
    %add3A_459 = arith.addf %add3A_78, %dot_general3A_458 : vector<24x1024xf32>
    %logistic3A_460 = arith.negf %add3A_459 : vector<24x1024xf32>
    %logistic3A_461 = math.exp %logistic3A_460 : vector<24x1024xf32>
    %logistic3A_462 = arith.constant 1.000000e+00 : f32
    %logistic3A_463 = vector.broadcast %logistic3A_462 : f32 to vector<24x1024xf32>
    %logistic3A_464 = arith.addf %logistic3A_463, %logistic3A_461 : vector<24x1024xf32>
    %logistic3A_465 = arith.divf %logistic3A_463, %logistic3A_464 : vector<24x1024xf32>
    %mul3A_466 = arith.mulf %add3A_459, %logistic3A_465 : vector<24x1024xf32>
    %get3A_467 = arith.constant 0 : index
    %get3A_468 = arith.constant 0 : index
    %get3A_469 = vector.load %arg10[%get3A_467, %get3A_468] : memref<24x1xf32, #tpu.memory_space<vmem>>, vector<24x1xf32>
    %mul3A_470 = vector.broadcast %get3A_469 : vector<24x1xf32> to vector<24x1024xf32>
    %mul3A_471 = arith.mulf %mul3A_466, %mul3A_470 : vector<24x1024xf32>
    %reduce_sum3A_472 = arith.constant dense<0.000000e+00> : vector<1024xf32>
    %reduce_sum3A_473 = vector.multi_reduction <add>, %mul3A_471, %reduce_sum3A_472 [0] : vector<24x1024xf32> to vector<1024xf32>
    %broadcast_in_dim3A_474 = vector.shape_cast %reduce_sum3A_473 : vector<1024xf32> to vector<1x1024xf32>
    %get3A_475 = arith.constant 0 : index
    %get3A_476 = arith.constant 0 : index
    %get3A_477 = vector.load %arg11[%get3A_475, %get3A_476] : memref<1x1xf32, #tpu.memory_space<vmem>>, vector<1x1xf32>
    %add3A_478 = vector.broadcast %get3A_477 : vector<1x1xf32> to vector<1x1024xf32>
    %add3A_479 = arith.addf %broadcast_in_dim3A_474, %add3A_478 : vector<1x1024xf32>
    %logistic3A_480 = arith.negf %add3A_479 : vector<1x1024xf32>
    %logistic3A_481 = math.exp %logistic3A_480 : vector<1x1024xf32>
    %logistic3A_482 = arith.constant 1.000000e+00 : f32
    %logistic3A_483 = vector.broadcast %logistic3A_482 : f32 to vector<1x1024xf32>
    %logistic3A_484 = arith.addf %logistic3A_483, %logistic3A_481 : vector<1x1024xf32>
    %logistic3A_485 = arith.divf %logistic3A_483, %logistic3A_484 : vector<1x1024xf32>
    %mul3A_486 = vector.broadcast %logistic3A_485 : vector<1x1024xf32> to vector<24x1024xf32>
    %mul3A_487 = arith.mulf %dot_general3A_453, %mul3A_486 : vector<24x1024xf32>
    %add3A_488 = arith.addf %add3A_442, %mul3A_487 : vector<24x1024xf32>
    %get3A_489 = arith.constant 0 : index
    %get3A_490 = arith.constant 0 : index
    %get3A_491 = vector.load %arg12[%get3A_489, %get3A_490] : memref<1x1xf32, #tpu.memory_space<vmem>>, vector<1x1xf32>
    %mul3A_492 = vector.broadcast %get3A_491 : vector<1x1xf32> to vector<24x1024xf32>
    %mul3A_493 = arith.mulf %add3A_488, %mul3A_492 : vector<24x1024xf32>
    %get3A_494 = arith.constant 0 : index
    %get3A_495 = arith.constant 0 : index
    %get3A_496 = vector.load %arg13[%get3A_494, %get3A_495] : memref<1x1xf32, #tpu.memory_space<vmem>>, vector<1x1xf32>
    %mul3A_497 = vector.broadcast %get3A_496 : vector<1x1xf32> to vector<24x1024xf32>
    %mul3A_498 = arith.mulf %add3A_54, %mul3A_497 : vector<24x1024xf32>
    %add3A_499 = arith.addf %mul3A_493, %mul3A_498 : vector<24x1024xf32>
    %get3A_500 = arith.constant 0 : index
    %get3A_501 = arith.constant 0 : index
    %get3A_502 = vector.load %arg14[%get3A_500, %get3A_501] : memref<96x24xf32, #tpu.memory_space<vmem>>, vector<96x24xf32>
    %dot_general3A_503 = arith.constant dense<0.000000e+00> : vector<96x1024xf32>
    %dot_general3A_504 = tpu.matmul %get3A_502, %add3A_499, %dot_general3A_503 {dimension_numbers = #tpu.dot_dimension_numbers<[1], [0], [0], [1], [0, 0, 1, 1], [], []>, transpose_lhs_hint = false} : vector<96x24xf32>, vector<24x1024xf32>, vector<96x1024xf32> -> vector<96x1024xf32>
    %get3A_505 = arith.constant 0 : index
    %get3A_506 = arith.constant 0 : index
    %get3A_507 = vector.load %arg15[%get3A_505, %get3A_506] : memref<96x1xf32, #tpu.memory_space<vmem>>, vector<96x1xf32>
    %add3A_508 = vector.broadcast %get3A_507 : vector<96x1xf32> to vector<96x1024xf32>
    %add3A_509 = arith.addf %dot_general3A_504, %add3A_508 : vector<96x1024xf32>
    %swap3A_510 = arith.constant 0 : index
    %swap3A_511 = arith.constant 0 : index
    %swap3A_512 = arith.constant 0 : index
    %swap3A_513 = vector.load %arg18[%swap3A_510, %swap3A_511, %swap3A_512] : memref<1x96x1024xf32, #tpu.memory_space<vmem>>, vector<1x96x1024xf32>
    %swap3A_514 = vector.shape_cast %swap3A_513 : vector<1x96x1024xf32> to vector<96x1024xf32>
    %swap3A_515 = vector.shape_cast %add3A_509 : vector<96x1024xf32> to vector<1x96x1024xf32>
    tpu.vector_store %arg18[%swap3A_510, %swap3A_511, %swap3A_512], %swap3A_515 {strides = array<i32>} : memref<1x96x1024xf32, #tpu.memory_space<vmem>>, vector<1x96x1024xf32>,
    %reduce_sum3A_516 = vector.shape_cast %add3A_509 : vector<96x1024xf32> to vector<1x96x1024xf32>
    %reduce_sum3A_517 = arith.constant dense<0.000000e+00> : vector<1xf32>
    %reduce_sum3A_518 = vector.multi_reduction <add>, %reduce_sum3A_516, %reduce_sum3A_517 [1, 2] : vector<1x96x1024xf32> to vector<1xf32>
    %reduce_sum3A_519 = vector.shape_cast %reduce_sum3A_518 : vector<1xf32> to vector<1x1x1xf32>
    %reduce_sum3A_520 = vector.extract %reduce_sum3A_519[0, 0, 0] : f32 from vector<1x1x1xf32>
    %broadcast_in_dim3A_521 = vector.broadcast %reduce_sum3A_520 : f32 to vector<2x128xf32>
    %mul3A_522 = arith.mulf %add3A_509, %add3A_509 : vector<96x1024xf32>
    %reduce_sum3A_523 = vector.shape_cast %mul3A_522 : vector<96x1024xf32> to vector<1x96x1024xf32>
    %reduce_sum3A_524 = arith.constant dense<0.000000e+00> : vector<1xf32>
    %reduce_sum3A_525 = vector.multi_reduction <add>, %reduce_sum3A_523, %reduce_sum3A_524 [1, 2] : vector<1x96x1024xf32> to vector<1xf32>
    %reduce_sum3A_526 = vector.shape_cast %reduce_sum3A_525 : vector<1xf32> to vector<1x1x1xf32>
    %reduce_sum3A_527 = vector.extract %reduce_sum3A_526[0, 0, 0] : f32 from vector<1x1x1xf32>
    %broadcast_in_dim3A_528 = vector.broadcast %reduce_sum3A_527 : f32 to vector<2x128xf32>
    %reduce_sum3A_529 = vector.shape_cast %add3A_11 : vector<96x1024xf32> to vector<1x96x1024xf32>
    %reduce_sum3A_530 = arith.constant dense<0.000000e+00> : vector<1xf32>
    %reduce_sum3A_531 = vector.multi_reduction <add>, %reduce_sum3A_529, %reduce_sum3A_530 [1, 2] : vector<1x96x1024xf32> to vector<1xf32>
    %reduce_sum3A_532 = vector.shape_cast %reduce_sum3A_531 : vector<1xf32> to vector<1x1x1xf32>
    %reduce_sum3A_533 = vector.extract %reduce_sum3A_532[0, 0, 0] : f32 from vector<1x1x1xf32>
    %broadcast_in_dim3A_534 = vector.broadcast %reduce_sum3A_533 : f32 to vector<2x128xf32>
    %mul3A_535 = arith.mulf %add3A_11, %add3A_11 : vector<96x1024xf32>
    %reduce_sum3A_536 = vector.shape_cast %mul3A_535 : vector<96x1024xf32> to vector<1x96x1024xf32>
    %reduce_sum3A_537 = arith.constant dense<0.000000e+00> : vector<1xf32>
    %reduce_sum3A_538 = vector.multi_reduction <add>, %reduce_sum3A_536, %reduce_sum3A_537 [1, 2] : vector<1x96x1024xf32> to vector<1xf32>
    %reduce_sum3A_539 = vector.shape_cast %reduce_sum3A_538 : vector<1xf32> to vector<1x1x1xf32>
    %reduce_sum3A_540 = vector.extract %reduce_sum3A_539[0, 0, 0] : f32 from vector<1x1x1xf32>
    %broadcast_in_dim3A_541 = vector.broadcast %reduce_sum3A_540 : f32 to vector<2x128xf32>
    %concatenate3A_542 = tpu.concatenate %broadcast_in_dim3A_521, %broadcast_in_dim3A_528, %broadcast_in_dim3A_534, %broadcast_in_dim3A_541 in 0 : vector<2x128xf32>, vector<2x128xf32>, vector<2x128xf32>, vector<2x128xf32> -> vector<8x128xf32>
    %swap3A_543 = arith.constant 0 : index
    %swap3A_544 = arith.constant 0 : index
    %swap3A_545 = arith.constant 0 : index
    %swap3A_546 = vector.load %arg20[%swap3A_543, %swap3A_544, %swap3A_545] : memref<1x8x128xf32, #tpu.memory_space<vmem>>, vector<1x8x128xf32>
    %swap3A_547 = vector.shape_cast %swap3A_546 : vector<1x8x128xf32> to vector<8x128xf32>
    %swap3A_548 = vector.shape_cast %concatenate3A_542 : vector<8x128xf32> to vector<1x8x128xf32>
    tpu.vector_store %arg20[%swap3A_543, %swap3A_544, %swap3A_545], %swap3A_548 {strides = array<i32>} : memref<1x8x128xf32, #tpu.memory_space<vmem>>, vector<1x8x128xf32>,
    return
  }
  func.func @transform_0(%arg0: i32) -> (i32, i32, i32) {
    %c0_i32 = arith.constant 0 : i32
    %c0_i32_0 = arith.constant 0 : i32
    %c0_i32_1 = arith.constant 0 : i32
    return %arg0, %c0_i32, %c0_i32_0 : i32, i32, i32
  }
  func.func @transform_1(%arg0: i32) -> (i32, i32) {
    %c0_i32 = arith.constant 0 : i32
    %c0_i32_0 = arith.constant 0 : i32
    %c0_i32_1 = arith.constant 0 : i32
    return %c0_i32, %c0_i32_0 : i32, i32
  }
  func.func @transform_2(%arg0: i32) -> (i32, i32) {
    %c0_i32 = arith.constant 0 : i32
    %c0_i32_0 = arith.constant 0 : i32
    %c0_i32_1 = arith.constant 0 : i32
    return %c0_i32, %c0_i32_0 : i32, i32
  }
  func.func @transform_3(%arg0: i32) -> (i32, i32) {
    %c0_i32 = arith.constant 0 : i32
    %c0_i32_0 = arith.constant 0 : i32
    %c0_i32_1 = arith.constant 0 : i32
    return %c0_i32, %c0_i32_0 : i32, i32
  }
  func.func @transform_4(%arg0: i32) -> (i32, i32) {
    %c0_i32 = arith.constant 0 : i32
    %c0_i32_0 = arith.constant 0 : i32
    %c0_i32_1 = arith.constant 0 : i32
    return %c0_i32, %c0_i32_0 : i32, i32
  }
  func.func @transform_5(%arg0: i32) -> (i32, i32) {
    %c0_i32 = arith.constant 0 : i32
    %c0_i32_0 = arith.constant 0 : i32
    %c0_i32_1 = arith.constant 0 : i32
    return %c0_i32, %c0_i32_0 : i32, i32
  }
  func.func @transform_6(%arg0: i32) -> (i32, i32) {
    %c0_i32 = arith.constant 0 : i32
    %c0_i32_0 = arith.constant 0 : i32
    %c0_i32_1 = arith.constant 0 : i32
    return %c0_i32, %c0_i32_0 : i32, i32
  }
  func.func @transform_7(%arg0: i32) -> (i32, i32) {
    %c0_i32 = arith.constant 0 : i32
    %c0_i32_0 = arith.constant 0 : i32
    %c0_i32_1 = arith.constant 0 : i32
    return %c0_i32, %c0_i32_0 : i32, i32
  }
  func.func @transform_8(%arg0: i32) -> (i32, i32) {
    %c0_i32 = arith.constant 0 : i32
    %c0_i32_0 = arith.constant 0 : i32
    %c0_i32_1 = arith.constant 0 : i32
    return %c0_i32, %c0_i32_0 : i32, i32
  }
  func.func @transform_9(%arg0: i32) -> (i32, i32) {
    %c0_i32 = arith.constant 0 : i32
    %c0_i32_0 = arith.constant 0 : i32
    %c0_i32_1 = arith.constant 0 : i32
    return %c0_i32, %c0_i32_0 : i32, i32
  }
  func.func @transform_10(%arg0: i32) -> (i32, i32) {
    %c0_i32 = arith.constant 0 : i32
    %c0_i32_0 = arith.constant 0 : i32
    %c0_i32_1 = arith.constant 0 : i32
    return %c0_i32, %c0_i32_0 : i32, i32
  }
  func.func @transform_11(%arg0: i32) -> (i32, i32) {
    %c0_i32 = arith.constant 0 : i32
    %c0_i32_0 = arith.constant 0 : i32
    %c0_i32_1 = arith.constant 0 : i32
    return %c0_i32, %c0_i32_0 : i32, i32
  }
  func.func @transform_12(%arg0: i32) -> (i32, i32) {
    %c0_i32 = arith.constant 0 : i32
    %c0_i32_0 = arith.constant 0 : i32
    %c0_i32_1 = arith.constant 0 : i32
    return %c0_i32, %c0_i32_0 : i32, i32
  }
  func.func @transform_13(%arg0: i32) -> (i32, i32) {
    %c0_i32 = arith.constant 0 : i32
    %c0_i32_0 = arith.constant 0 : i32
    %c0_i32_1 = arith.constant 0 : i32
    return %c0_i32, %c0_i32_0 : i32, i32
  }
  func.func @transform_14(%arg0: i32) -> (i32, i32) {
    %c0_i32 = arith.constant 0 : i32
    %c0_i32_0 = arith.constant 0 : i32
    %c0_i32_1 = arith.constant 0 : i32
    return %c0_i32, %c0_i32_0 : i32, i32
  }
  func.func @transform_15(%arg0: i32) -> (i32, i32) {
    %c0_i32 = arith.constant 0 : i32
    %c0_i32_0 = arith.constant 0 : i32
    %c0_i32_1 = arith.constant 0 : i32
    return %c0_i32, %c0_i32_0 : i32, i32
  }
  func.func @transform_16(%arg0: i32) -> (i32, i32) {
    %c0_i32 = arith.constant 0 : i32
    %c0_i32_0 = arith.constant 0 : i32
    %c0_i32_1 = arith.constant 0 : i32
    return %c0_i32, %c0_i32_0 : i32, i32
  }
  func.func @transform_17(%arg0: i32) -> (i32, i32, i32) {
    %c0_i32 = arith.constant 0 : i32
    %c0_i32_0 = arith.constant 0 : i32
    %c0_i32_1 = arith.constant 0 : i32
    return %arg0, %c0_i32, %c0_i32_0 : i32, i32, i32
  }
  func.func @transform_18(%arg0: i32) -> (i32, i32, i32) {
    %c0_i32 = arith.constant 0 : i32
    %c0_i32_0 = arith.constant 0 : i32
    %c0_i32_1 = arith.constant 0 : i32
    return %arg0, %c0_i32, %c0_i32_0 : i32, i32, i32
  }
  func.func @transform_19(%arg0: i32) -> (i32, i32, i32) {
    %c0_i32 = arith.constant 0 : i32
    %c0_i32_0 = arith.constant 0 : i32
    %c0_i32_1 = arith.constant 0 : i32
    return %arg0, %c0_i32, %c0_i32_0 : i32, i32, i32
  }
}

module attributes {stable_mosaic.version = 14 : i64} {
  func.func @_fin_kernel(%arg0: i32, %arg1: i32, %arg2: memref<7x96x1024xf32, #tpu.memory_space<vmem>>, %arg3: memref<7x96x1024xf32, #tpu.memory_space<vmem>>, %arg4: memref<1x96x1xf32, #tpu.memory_space<vmem>>, %arg5: memref<1x96x1xf32, #tpu.memory_space<vmem>>, %arg6: memref<1x96x1xf32, #tpu.memory_space<vmem>>, %arg7: memref<1x96x32x224xf32, #tpu.memory_space<vmem>>) attributes {dimension_semantics = [#tpu.dimension_semantics<arbitrary>, #tpu.dimension_semantics<arbitrary>], iteration_bounds = array<i64: 2, 7>, scalar_prefetch = 0 : i64, scratch_operands = 0 : i64, tpu.core_type = #tpu.core_type<tc>, window_params = [{transform_indices = @transform_0, window_bounds = array<i64: 7, 96, 1024>}, {transform_indices = @transform_1, window_bounds = array<i64: 7, 96, 1024>}, {transform_indices = @transform_2, window_bounds = array<i64: 1, 96, 1>}, {transform_indices = @transform_3, window_bounds = array<i64: 1, 96, 1>}, {transform_indices = @transform_4, window_bounds = array<i64: 1, 96, 1>}, {transform_indices = @transform_5, window_bounds = array<i64: 1, 96, 32, 224>}]} {
    %get3A = arith.constant 0 : index
    %get3A_0 = arith.constant 0 : index
    %get3A_1 = arith.constant 0 : index
    %get3A_2 = vector.load %arg2[%get3A, %get3A_0, %get3A_1] : memref<7x96x1024xf32, #tpu.memory_space<vmem>>, vector<7x96x1024xf32>
    %get3A_3 = arith.constant 0 : index
    %get3A_4 = arith.constant 0 : index
    %get3A_5 = arith.constant 0 : index
    %get3A_6 = vector.load %arg4[%get3A_3, %get3A_4, %get3A_5] : memref<1x96x1xf32, #tpu.memory_space<vmem>>, vector<1x96x1xf32>
    %mul3A = vector.broadcast %get3A_6 : vector<1x96x1xf32> to vector<7x96x1024xf32>
    %mul3A_7 = arith.mulf %get3A_2, %mul3A : vector<7x96x1024xf32>
    %get3A_8 = arith.constant 0 : index
    %get3A_9 = arith.constant 0 : index
    %get3A_10 = arith.constant 0 : index
    %get3A_11 = vector.load %arg3[%get3A_8, %get3A_9, %get3A_10] : memref<7x96x1024xf32, #tpu.memory_space<vmem>>, vector<7x96x1024xf32>
    %get3A_12 = arith.constant 0 : index
    %get3A_13 = arith.constant 0 : index
    %get3A_14 = arith.constant 0 : index
    %get3A_15 = vector.load %arg5[%get3A_12, %get3A_13, %get3A_14] : memref<1x96x1xf32, #tpu.memory_space<vmem>>, vector<1x96x1xf32>
    %mul3A_16 = vector.broadcast %get3A_15 : vector<1x96x1xf32> to vector<7x96x1024xf32>
    %mul3A_17 = arith.mulf %get3A_11, %mul3A_16 : vector<7x96x1024xf32>
    %add3A = arith.addf %mul3A_7, %mul3A_17 : vector<7x96x1024xf32>
    %get3A_18 = arith.constant 0 : index
    %get3A_19 = arith.constant 0 : index
    %get3A_20 = arith.constant 0 : index
    %get3A_21 = vector.load %arg6[%get3A_18, %get3A_19, %get3A_20] : memref<1x96x1xf32, #tpu.memory_space<vmem>>, vector<1x96x1xf32>
    %add3A_22 = vector.broadcast %get3A_21 : vector<1x96x1xf32> to vector<7x96x1024xf32>
    %add3A_23 = arith.addf %add3A, %add3A_22 : vector<7x96x1024xf32>
    %slice3A = vector.extract_strided_slice %add3A_23 {offsets = [0, 0, 0], sizes = [1, 96, 1024], strides = [1, 1, 1]} : vector<7x96x1024xf32> to vector<1x96x1024xf32>
    %squeeze3A = vector.shape_cast %slice3A : vector<1x96x1024xf32> to vector<96x1024xf32>
    %reshape3A = vector.shape_cast %squeeze3A : vector<96x1024xf32> to vector<96x32x32xf32>
    %slice3A_24 = vector.extract_strided_slice %add3A_23 {offsets = [1, 0, 0], sizes = [1, 96, 1024], strides = [1, 1, 1]} : vector<7x96x1024xf32> to vector<1x96x1024xf32>
    %squeeze3A_25 = vector.shape_cast %slice3A_24 : vector<1x96x1024xf32> to vector<96x1024xf32>
    %reshape3A_26 = vector.shape_cast %squeeze3A_25 : vector<96x1024xf32> to vector<96x32x32xf32>
    %slice3A_27 = vector.extract_strided_slice %add3A_23 {offsets = [2, 0, 0], sizes = [1, 96, 1024], strides = [1, 1, 1]} : vector<7x96x1024xf32> to vector<1x96x1024xf32>
    %squeeze3A_28 = vector.shape_cast %slice3A_27 : vector<1x96x1024xf32> to vector<96x1024xf32>
    %reshape3A_29 = vector.shape_cast %squeeze3A_28 : vector<96x1024xf32> to vector<96x32x32xf32>
    %slice3A_30 = vector.extract_strided_slice %add3A_23 {offsets = [3, 0, 0], sizes = [1, 96, 1024], strides = [1, 1, 1]} : vector<7x96x1024xf32> to vector<1x96x1024xf32>
    %squeeze3A_31 = vector.shape_cast %slice3A_30 : vector<1x96x1024xf32> to vector<96x1024xf32>
    %reshape3A_32 = vector.shape_cast %squeeze3A_31 : vector<96x1024xf32> to vector<96x32x32xf32>
    %slice3A_33 = vector.extract_strided_slice %add3A_23 {offsets = [4, 0, 0], sizes = [1, 96, 1024], strides = [1, 1, 1]} : vector<7x96x1024xf32> to vector<1x96x1024xf32>
    %squeeze3A_34 = vector.shape_cast %slice3A_33 : vector<1x96x1024xf32> to vector<96x1024xf32>
    %reshape3A_35 = vector.shape_cast %squeeze3A_34 : vector<96x1024xf32> to vector<96x32x32xf32>
    %slice3A_36 = vector.extract_strided_slice %add3A_23 {offsets = [5, 0, 0], sizes = [1, 96, 1024], strides = [1, 1, 1]} : vector<7x96x1024xf32> to vector<1x96x1024xf32>
    %squeeze3A_37 = vector.shape_cast %slice3A_36 : vector<1x96x1024xf32> to vector<96x1024xf32>
    %reshape3A_38 = vector.shape_cast %squeeze3A_37 : vector<96x1024xf32> to vector<96x32x32xf32>
    %slice3A_39 = vector.extract_strided_slice %add3A_23 {offsets = [6, 0, 0], sizes = [1, 96, 1024], strides = [1, 1, 1]} : vector<7x96x1024xf32> to vector<1x96x1024xf32>
    %squeeze3A_40 = vector.shape_cast %slice3A_39 : vector<1x96x1024xf32> to vector<96x1024xf32>
    %reshape3A_41 = vector.shape_cast %squeeze3A_40 : vector<96x1024xf32> to vector<96x32x32xf32>
    %concatenate3A = tpu.concatenate %reshape3A, %reshape3A_26, %reshape3A_29, %reshape3A_32, %reshape3A_35, %reshape3A_38, %reshape3A_41 in 2 : vector<96x32x32xf32>, vector<96x32x32xf32>, vector<96x32x32xf32>, vector<96x32x32xf32>, vector<96x32x32xf32>, vector<96x32x32xf32>, vector<96x32x32xf32> -> vector<96x32x224xf32>
    %swap3A = arith.constant 0 : index
    %swap3A_42 = arith.constant 0 : index
    %swap3A_43 = arith.constant 0 : index
    %swap3A_44 = arith.constant 0 : index
    %swap3A_45 = vector.load %arg7[%swap3A, %swap3A_42, %swap3A_43, %swap3A_44] : memref<1x96x32x224xf32, #tpu.memory_space<vmem>>, vector<1x96x32x224xf32>
    %swap3A_46 = vector.shape_cast %swap3A_45 : vector<1x96x32x224xf32> to vector<96x32x224xf32>
    %swap3A_47 = vector.shape_cast %concatenate3A : vector<96x32x224xf32> to vector<1x96x32x224xf32>
    tpu.vector_store %arg7[%swap3A, %swap3A_42, %swap3A_43, %swap3A_44], %swap3A_47 {strides = array<i32>} : memref<1x96x32x224xf32, #tpu.memory_space<vmem>>, vector<1x96x32x224xf32>,
    return
  }
  func.func @transform_0(%arg0: i32, %arg1: i32) -> (i32, i32, i32) {
    %mul3A = arith.constant 7 : i32
    %mul3A_0 = arith.muli %arg0, %mul3A : i32
    %add3A = arith.addi %mul3A_0, %arg1 : i32
    %c0_i32 = arith.constant 0 : i32
    %c0_i32_1 = arith.constant 0 : i32
    %c0_i32_2 = arith.constant 0 : i32
    return %add3A, %c0_i32, %c0_i32_1 : i32, i32, i32
  }
  func.func @transform_1(%arg0: i32, %arg1: i32) -> (i32, i32, i32) {
    %mul3A = arith.constant 7 : i32
    %mul3A_0 = arith.muli %arg0, %mul3A : i32
    %add3A = arith.addi %mul3A_0, %arg1 : i32
    %c0_i32 = arith.constant 0 : i32
    %c0_i32_1 = arith.constant 0 : i32
    %c0_i32_2 = arith.constant 0 : i32
    return %add3A, %c0_i32, %c0_i32_1 : i32, i32, i32
  }
  func.func @transform_2(%arg0: i32, %arg1: i32) -> (i32, i32, i32) {
    %c0_i32 = arith.constant 0 : i32
    %c0_i32_0 = arith.constant 0 : i32
    %c0_i32_1 = arith.constant 0 : i32
    return %arg0, %c0_i32, %c0_i32_0 : i32, i32, i32
  }
  func.func @transform_3(%arg0: i32, %arg1: i32) -> (i32, i32, i32) {
    %c0_i32 = arith.constant 0 : i32
    %c0_i32_0 = arith.constant 0 : i32
    %c0_i32_1 = arith.constant 0 : i32
    return %arg0, %c0_i32, %c0_i32_0 : i32, i32, i32
  }
  func.func @transform_4(%arg0: i32, %arg1: i32) -> (i32, i32, i32) {
    %c0_i32 = arith.constant 0 : i32
    %c0_i32_0 = arith.constant 0 : i32
    %c0_i32_1 = arith.constant 0 : i32
    return %arg0, %c0_i32, %c0_i32_0 : i32, i32, i32
  }
  func.func @transform_5(%arg0: i32, %arg1: i32) -> (i32, i32, i32, i32) {
    %c0_i32 = arith.constant 0 : i32
    %c0_i32_0 = arith.constant 0 : i32
    %c0_i32_1 = arith.constant 0 : i32
    return %arg0, %c0_i32, %arg1, %c0_i32_0 : i32, i32, i32, i32
  }
}

</mosaic_0001>

<sc_bundles>
// kernel: sparse-core-data-format-call.cloned.1.call-start
scs
called_computation_lowered:
.L_overlay_start_0:
0x0: {  	s1 =	sld [smem:$0x3FD9]  }
0x1: {  	s2 =	sld [smem:$0x3FFE];
	_ =	sdelay $0x1  }
0x2: {  	s3 =	srdreg.scid  }
0x3: {  	s0 =	sand.u32 $0x1, s3  }
0x4: {  	s17 =	sshll.u32 s0, $0xA;
	s1 =	sadd.s32 s2, s1  }
0x5: {  	s1 =	sadd.s32 s1, s17  }
0x6: {  	[smem:$0x3FB5] =	sst s1  }
0x7: {  	_ = 	snop  }
0x8: {  	(tm) =	ssettm $0x1  }
0x9: {  	s18 =	sld [smem:$0x3FFB];
	_ =	sdelay $0x3  }
0xa: {  	_ =	strace s18  }
0xb: {  	s1 =	sld [smem:$0x3FFC];
	_ =	sdelay $0x3  }
0xc: {  	_ =	strace s1  }
0xd: {  	s1 =	sld [smem:$0x3FFD];
	_ =	sdelay $0x3  }
0xe: {  	_ =	strace s1  }
0xf: {  	_ =	strace $0x8FFFFFFF  }
0x10: {  	s19 =	sld [smem:$0x3FDB];
	_ =	sdelay $0x1  }
0x11: {  	s20 =	simm.s32 $_scs_section_size  }
0x12: {  	s4 =	simm.s32 $_size__tile_overlayer_lowered;
	s5 =	simm.s32 $_tile_overlayer_lowered  }
0x13: {  	s23 =	simm.s32 $0x1BFF;
	s22 =	sshll.u32 s5, $0x1;
	s1 =	sadd.s32 s20, s19  }
0x14: {  	s6 =	simm.s32 $0x0;
	s21 =	sshll.u32 s4, $0x1;
	s4 =	sadd.s32 s22, s1  }
0x15: {  	[timem:s6], [sflag:s23] =	dma.local [hbm:s4], s21  }
0x16: {  	_ =	swait.ge [sflag:s23], s21  }
0x17: {  	s2 =	ssub.s32 $0x0, s21;
	[sflag:s23] =	ssyncset.done $0x0  }
0x18: {  	[sflag:s23] =	ssyncadd.s32 s2;
	_ =	sdelay $0x1  }
0x19: {  	s24 =	simm.s32 $0x1B8B  }
0x1a: {  	_ =	swait.ge [sflag:s24], $0x1  }
0x1b: {  	[sflag:s24] =	ssyncset.done $0x0  }
0x1c: {  	s26 =	simm.s32 $0x1B8E;
	s25 =	sld [smem:$0x3FFE];
	[sflag:s24] =	ssyncadd.s32 $0xFFFFFFFF  }
0x1d: {  	s27 =	simm.s32 $execute0_lowered;
	[smem:$0x3FD2] =	sst s26  }
0x1e: {  	s4 =	sshll.u32 s27, $0x1;
	_ =	strace $0x80000046;
	[dreg:$0x1] =	wrdreg $0xFFFFFFFF  }
0x1f: {  	s28 =	simm.s32 $_size_execute0_lowered;
	s1 =	sadd.s32 s1, s4;
	[dreg:$0x0] =	wrdreg $0x0  }
0x20: {  	s4 =	sshll.u32 s28, $0x1;
	[dreg:$0x2] =	wrdreg s1  }
0x21: {  	[dreg:$0x3] =	wrdreg s4  }
0x22: {  	[dreg:$0x4] =	wrdreg $0xC0  }
0x23: {  	_ =	task [dreg:s6], $0x5FFFF  }
0x24: {  	[dreg:$0x1] =	wrdreg $0xFFFFFFFF  }
0x25: {  	[dreg:$0x0] =	wrdreg $0x60  }
0x26: {  	[dreg:$0x2] =	wrdreg s25  }
0x27: {  	[dreg:$0x3] =	wrdreg $0x9  }
0x28: {  	_ =	task.clear_ibuf [dreg:s6], $0x4FFFF;
	_ =	strace $0x90000046  }
0x29: {  	s29 =	simm.s32 $0x9;
	_ =	strace $0x80000048  }
0x2a: {  	_ =	swait.ge [sflag:s29], $0x1  }
0x2b: {  	[sflag:s29] =	ssyncadd.s32 $0xFFFFFFFF  }
0x2c: {  	_ =	strace $0x90000048  }
0x2d: {  	_ =	sfence  }
0x2e: {  	s30 =	sld [smem:$0x0];
	_ =	sdelay $0x2  }
0x2f: {  	s31 =	sshll.u32 s3, $0xD;
	s3 =	sshrl.u32 s3, $0x2  }
0x30: {  	s2 =	sand.u32 $0x4000, s31;
	s1 =	sadd.s32 s3, s30  }
0x31: {  	s0 =	sor.u32 s2, s0;
	s1 =	sshll.u32 s1, $0x11  }
0x32: {  	s0 =	sor.u32 s1, s0  }
0x33: {  	s0 =	sadd.s32 $0x8F2B, s0  }
0x34: {  	[sflag:s0] =	ssyncadd.remote.s32 $0x1  }
0x35: {  	_ =	sfence.sel $0xFFFF  }
0x36: {  	[dreg:$0x0] =	wrdreg $0xFFFFFFFF;
	(pc) =	sbr.abs _section_cstart, $3  }
0x37: {  	[dreg:$0x1] =	wrdreg $0xFFFFFFFF  }
0x38: {  	_ =	task.clear_ibuf [dreg:s6], $0x2FFFF;
	_ =	strace $0x9FFFFFFF  }
0x39: {  	(tm) =	ssettm $0x7FFFFFFF  }
tec
execute0_lowered:
.L_overlay_start_1:
0x0: {  	(tag) =	ssettag $0x1  }
0x1: {  	s1 =	srdreg.scid;
	s0 =	stileid.u32  }
0x2: {  	s8 =	simm.s32 $0x1;
	s9 =	simm.s32 $0x2;
	s1 =	sshll.u32 s1, $0x4  }
0x3: {  	s10 =	simm.s32 $0x0;
	s11 =	simm.s32 $0x0;
	s2 =	sor.u32 s0, s1  }
0x4: {  	s3 =	sshrl.u32 s0, $0x1;
	s1 =	sand.u32 $0x1, s0;
	s2 =	sand.u32 $0x1C, s2  }
0x5: {  	s3 =	sand.u32 $0x1, s3;
	s4 =	ssub.s32 $0x2, s1;
	s6 =	ssub.s32 $0x20, s2  }
0x6: {  	s5 =	sshrl.u32 s4, $0x1;
	s4 =	sand.u32 $0x1, s4;
	s31 =	sand.u32 $0x1C, s6  }
0x7: {  	s7 =	ssub.s32 $0x4, s3;
	s4 =	sadd.s32 s4, s5;
	p0 =	sne.s32 s31, $0x0  }
0x8: {  	s6 =	sshrl.u32 s6, $0x5;
	s7 =	smul.u32 s4, s7;
	s8 =	simm.s32 @!p0 $0x0  }
0x9: {  	s17 =	simm.s32 $0x0;
	s18 =	simm.s32 $0x0;
	s6 =	sadd.s32 s8, s6  }
0xa: {  	s19 =	simm.s32 $0x0;
	s20 =	simm.s32 $0x0;
	s7 =	smul.u32 s6, s7  }
.Ltmp0:
0xb: {  	s12 =	simm.s32 $0x0;
	s5 =	rddreg [dreg:$0x0];
	(pc) =	sbr.rel .LBB1_1-.Ltmp0, $4  }
0xc: {  	s16 =	simm.s32 $0x0;
	s14 =	smov.u32 s3;
	s4 =	rddreg [dreg:$0x1]  }
0xd: {  	_ =	strace $0x80000047;
	s6 =	simm.s32 $0x1;
	s7 =	smul.u32 $0x7, s7  }
0xe: {  	s15 =	smov.u32 s1;
	s13 =	smov.u32 s2;
	[sflag:s6] =	ssyncpa.u1 $0x0  }
0xf: {  	s8 =	sadd.s32 $0x188000, s5;
	[sflag:s9] =	ssyncpa.u1 $0x0;
	s9 =	sadd.s32 $0x1, s7  }
.LBB1_7:
0x10: {  	s21 =	sadd.s32 $0x1, s12  }
0x11: {  	s17 =	sadd.s32 $0x20, s13;
	s22 =	smov.u32 s13;
	p1 =	sgt.s32 s21, $0x6  }
0x12: {  	s22 =	smov.u32 @p1 s17  }
0x13: {  	s23 =	smov.u32 s14;
	s17 =	sadd.s32 $0x2, s14;
	p2 =	sgt.s32 s22, $0x1F  }
0x14: {  	s23 =	smov.u32 @p2 s17  }
0x15: {  	s24 =	smov.u32 s15;
	s17 =	sadd.s32 $0x2, s15;
	p3 =	sgt.s32 s23, $0x6  }
0x16: {  	p0 =	slt.u32 s16, $0x2;
	s24 =	smov.u32 @p3 s17  }
0x17: {  	s18 =	smov.u32 s13;
	s21 =	simm.s32 @p1 $0x0;
	p1 =	sgt.s32 s24, $0x1  }
0x18: {  	s25 =	simm.s32 @!p0 $0x2;
	s24 =	smov.u32 @p1 s1;
	p1 =	sne.s32 s16, s9  }
.Ltmp1:
0x19: {  	s19 =	smov.u32 s14;
	_ =	swait.ge @!p0 [sflag:s25], $0x4000;
	(pc) =	sbr.rel @!p1 .LBB1_8-.Ltmp1, $4  }
0x1a: {  	s20 =	smov.u32 s15;
	[sflag:s25] =	ssyncset.done @!p0 $0x0;
	s22 =	smov.u32 @p2 s2  }
0x1b: {  	s11 =	sadd.s32 $0x4000, s11;
	[sflag:s25] =	ssyncadd.s32 @!p0 $0xFFFFC000;
	s13 =	smov.u32 s22  }
0x1c: {  	s23 =	smov.u32 @p3 s3;
	s17 =	smov.u32 s12;
	s12 =	smov.u32 s21  }
0x1d: {  	s14 =	smov.u32 s23;
	s16 =	sadd.s32 $0x1, s16;
	s15 =	smov.u32 s24  }
.LBB1_1:
0x1e: {  	p0 =	sge.u32 s16, s7  }
0x1f: {  	s21 =	smul.u32 @!p0 $0xC4000, s15  }
0x20: {  	s22 =	smul.u32 @!p0 $0x1C000, s14  }
0x21: {  	s23 =	sxor.u32 @!p0 $0xFFFFFFFF, s16;
	s24 =	smul.u32 @!p0 $0xE00, s13;
	s21 =	sadd.s32 @!p0 s5, s21  }
0x22: {  	s31 =	sadd.s32 $0xFFFFFFFF, s16;
	s23 =	sshll.u32 @!p0 s23, $0xE;
	s21 =	sadd.s32 @!p0 s22, s21  }
0x23: {  	s22 =	sand.u32 @!p0 $0x4000, s23;
	s23 =	sshll.u32 @!p0 s12, $0x9;
	s21 =	sadd.s32 @!p0 s24, s21  }
0x24: {  	s24 =	simm.s32 @!p0 $0x7000;
	s21 =	sadd.s32 @!p0 s23, s21;
	s23 =	simm.s32 @!p0 $0x1000  }
0x25: {  	[tilespmem:s22], [sflag:$0x1] =	stream.strided.gather @!p0 [hbm4b:s21+s23], $0x4000, s24, s23, $0x38;
	[tilespmem:$0x10000] =	vst v63  }
0x26: {  	p0 =	sge.u32 s31, s7  }
.Ltmp2:
0x27: {  	_ = 	snop;
	(pc) =	sbr.rel @p0 .LBB1_7-.Ltmp2, $1  }
0x28: {  	_ =	sdelay $0x3  }
0x29: {  	s21 =	sand.u32 $0x4000, s11  }
0x2a: {  	_ =	swait.ge [sflag:s6], $0x4000;
	s24 =	sshll.u32 s16, $0xE;
	s22 =	sor.u32 $0x8040, s21  }
0x2b: {  	s23 =	sor.u32 $0x40, s21;
	[sflag:s6] =	ssyncset.done $0x0;
	s31 =	sand.u32 $0x4000, s24  }
0x2c: {  	s24 =	simm.s32 $0x0;
	[sflag:s6] =	ssyncadd.s32 $0xFFFFC000;
	s21 =	sor.u32 $0x8000, s31  }
.LBB1_3:
0x2d: {  	v1 =	vmov s23;
	_ =	sdelay $0x3  }
0x2e: {  	s25 =	simm.s32 $0x0  }
0x2f: {  	v7 =	vld.idx.msk [tilespmem:v1+s25+$0x30 ss:$0x1], $0xffff  }
0x30: {  	v0 =	vmov s22;
	v8 =	vld.idx.msk [tilespmem:v1+s25+$0xFFFFFFC0 ss:$0x1], $0xffff  }
0x31: {  	v6 =	vld.idx.msk [tilespmem:v1+s25+$0xFFFFFFD0 ss:$0x1], $0xffff  }
0x32: {  	v5 =	vld.idx.msk [tilespmem:v1+s25+$0xFFFFFFE0 ss:$0x1], $0xffff  }
0x33: {  	v4 =	vld.idx.msk [tilespmem:v1+s25+$0xFFFFFFF0 ss:$0x1], $0xffff  }
0x34: {  	v2 =	vld.idx.msk [tilespmem:v1+s25+$0x0 ss:$0x1], $0xffff  }
0x35: {  	v3 =	vld.idx.msk [tilespmem:v1+s25+$0x10 ss:$0x1], $0xffff;
	[tilespmem:v0+s25+$0x30 ss:$0x1] =	vst.idx.msk $0xffff, v7  }
0x36: {  	s26 =	simm.s32 $0x80;
	s27 =	simm.s32 $0x400;
	[tilespmem:v0+s25+$0xFFFFFFC0 ss:$0x1] =	vst.idx.msk $0xffff, v8;
	v7 =	vld.idx.msk [tilespmem:v1+s25+$0x20 ss:$0x1], $0xffff  }
.LBB1_4:
0x37: {  	p0 =	sne.s32 s27, $0x3E00;
	v8 =	vld.idx.msk [tilespmem:v1+s26+$0x30 ss:$0x1], $0xffff;
	[tilespmem:v0+s25+$0xFFFFFFD0 ss:$0x1] =	vst.idx.msk $0xffff, v6  }
0x38: {  	v9 =	vld.idx.msk [tilespmem:v1+s26+$0xFFFFFFC0 ss:$0x1], $0xffff;
	[tilespmem:v0+s25+$0xFFFFFFE0 ss:$0x1] =	vst.idx.msk $0xffff, v5  }
0x39: {  	v6 =	vld.idx.msk [tilespmem:v1+s26+$0xFFFFFFD0 ss:$0x1], $0xffff;
	[tilespmem:v0+s25+$0xFFFFFFF0 ss:$0x1] =	vst.idx.msk $0xffff, v4  }
.Ltmp3:
0x3a: {  	v5 =	vld.idx.msk [tilespmem:v1+s26+$0xFFFFFFE0 ss:$0x1], $0xffff;
	[tilespmem:v0+s25+$0x0 ss:$0x1] =	vst.idx.msk $0xffff, v2;
	(pc) =	sbr.rel @p0 .LBB1_4-.Ltmp3, $4  }
0x3b: {  	v4 =	vld.idx.msk [tilespmem:v1+s26+$0xFFFFFFF0 ss:$0x1], $0xffff;
	[tilespmem:v0+s25+$0x10 ss:$0x1] =	vst.idx.msk $0xffff, v3  }
0x3c: {  	v2 =	vld.idx.msk [tilespmem:v1+s26+$0x0 ss:$0x1], $0xffff;
	[tilespmem:v0+s25+$0x20 ss:$0x1] =	vst.idx.msk $0xffff, v7;
	s25 =	smov.u32 s26  }
0x3d: {  	v3 =	vld.idx.msk [tilespmem:v1+s25+$0x10 ss:$0x1], $0xffff;
	[tilespmem:v0+s25+$0x30 ss:$0x1] =	vst.idx.msk $0xffff, v8  }
0x3e: {  	s26 =	sshra.s32 s27, $0x2;
	s27 =	sadd.s32 $0x200, s27;
	[tilespmem:v0+s25+$0xFFFFFFC0 ss:$0x1] =	vst.idx.msk $0xffff, v9;
	v7 =	vld.idx.msk [tilespmem:v1+s25+$0x20 ss:$0x1], $0xffff  }
0x3f: {  	_ =	sdelay $0x3  }
0x40: {  	[tilespmem:v0+s25+$0xFFFFFFD0 ss:$0x1] =	vst.idx.msk $0xffff, v6  }
0x41: {  	v56 =	vld.idx.msk [tilespmem:v1+s26+$0x30 ss:$0x1], $0xffff;
	[tilespmem:v0+s25+$0xFFFFFFE0 ss:$0x1] =	vst.idx.msk $0xffff, v5  }
0x42: {  	v57 =	vld.idx.msk [tilespmem:v1+s26+$0xFFFFFFC0 ss:$0x1], $0xffff;
	[tilespmem:v0+s25+$0xFFFFFFF0 ss:$0x1] =	vst.idx.msk $0xffff, v4  }
0x43: {  	v58 =	vld.idx.msk [tilespmem:v1+s26+$0xFFFFFFD0 ss:$0x1], $0xffff;
	[tilespmem:v0+s25+$0x0 ss:$0x1] =	vst.idx.msk $0xffff, v2  }
0x44: {  	v59 =	vld.idx.msk [tilespmem:v1+s26+$0xFFFFFFE0 ss:$0x1], $0xffff;
	[tilespmem:v0+s25+$0x10 ss:$0x1] =	vst.idx.msk $0xffff, v3  }
0x45: {  	v60 =	vld.idx.msk [tilespmem:v1+s26+$0xFFFFFFF0 ss:$0x1], $0xffff;
	[tilespmem:v0+s25+$0x20 ss:$0x1] =	vst.idx.msk $0xffff, v7  }
0x46: {  	v61 =	vld.idx.msk [tilespmem:v1+s26+$0x0 ss:$0x1], $0xffff;
	[tilespmem:v0+s26+$0x30 ss:$0x1] =	vst.idx.msk $0xffff, v56  }
0x47: {  	v62 =	vld.idx.msk [tilespmem:v1+s26+$0x10 ss:$0x1], $0xffff;
	s24 =	sadd.s32 $0x1, s24;
	[tilespmem:v0+s26+$0xFFFFFFC0 ss:$0x1] =	vst.idx.msk $0xffff, v57  }
0x48: {  	v63 =	vld.idx.msk [tilespmem:v1+s26+$0x20 ss:$0x1], $0xffff;
	p0 =	sne.s32 s24, $0x4;
	[tilespmem:v0+s26+$0xFFFFFFD0 ss:$0x1] =	vst.idx.msk $0xffff, v58  }
.Ltmp4:
0x49: {  	[tilespmem:v0+s26+$0xFFFFFFE0 ss:$0x1] =	vst.idx.msk $0xffff, v59;
	(pc) =	sbr.rel @p0 .LBB1_3-.Ltmp4, $4  }
0x4a: {  	[tilespmem:v0+s26+$0xFFFFFFF0 ss:$0x1] =	vst.idx.msk $0xffff, v60  }
0x4b: {  	[tilespmem:v0+s26+$0x0 ss:$0x1] =	vst.idx.msk $0xffff, v61  }
0x4c: {  	[tilespmem:v0+s26+$0x10 ss:$0x1] =	vst.idx.msk $0xffff, v62  }
0x4d: {  	s22 =	sadd.s32 $0x1000, s22;
	s23 =	sadd.s32 $0x1000, s23;
	[tilespmem:v0+s26+$0x20 ss:$0x1] =	vst.idx.msk $0xffff, v63  }
0x4e: {  	s20 =	smul.u32 $0xC4000, s20  }
0x4f: {  	s19 =	smul.u32 $0x1C000, s19  }
.Ltmp5:
0x50: {  	s20 =	sadd.s32 s8, s20;
	(pc) =	sbr.rel .LBB1_7-.Ltmp5, $4  }
0x51: {  	s18 =	sshll.u32 s18, $0x9;
	s19 =	sadd.s32 s19, s20  }
0x52: {  	s17 =	sshll.u32 s17, $0xE;
	s18 =	sadd.s32 s18, s19  }
0x53: {  	s17 =	sadd.s32 s17, s18  }
0x54: {  	[hbm4b:s17+s10] =	stream.linear.scatter [tilespmem:s21], [sflag:$0x2], $0x4000, $0x38;
	[tilespmem:$0x10000] =	vst v63  }
.LBB1_8:
0x55: {  	_ =	sfence.sel $0x180000  }
0x56: {  	s1 =	simm.s32 $0x1;
	[bflag:$0x0] =	sbarrier.arrive $0xFFFF  }
0x57: {  	s31 =	simm.s32 $0x2;
	[sflag:s1] =	ssyncpa.u1 $0x1  }
0x58: {  	[sflag:s31] =	ssyncpa.u1 $0x1  }
0x59: {  	p0 =	sne.s32 s0, $0x0;
	_ =	strace $0x90000047  }
0x5a: {  	s0 =	sadd.s32 @!p0 $0x100000, s4;
	[bflag:$0x2] =	sbarrier.arrive $0xFFFF  }
0x5b: {  	[sflag:s0] =	ssyncadd.tile.s32 @!p0 $0x1;
	_ =	shalt  }
.Lfunc_end1:
_tile_overlayer_lowered:
.L_overlay_start_2:
0x5c: {  	(tag) =	ssettag $0x2  }
0x5d: {  	s0 =	rddreg [dreg:$0x0];
	s2 =	stileid.u32  }
0x5e: {  	s1 =	rddreg [dreg:$0x1];
	p0 =	sne.s32 s2, $0x0  }
0x5f: {  	s3 =	rddreg [dreg:$0x2];
	[bflag:$0x3] =	sbarrier.arrive $0xFFFF;
	s2 =	simm.s32 @!p0 $0x1C01  }
0x60: {  	[timem:s3], [sflag:s2] =	dma.local @!p0 [hbm:s0], s1  }
0x61: {  	s0 =	simm.s32 @!p0 $0x1  }
0x62: {  	_ =	swait.ge @!p0 [sflag:s0], s1  }
0x63: {  	s1 =	ssub.s32 @!p0 $0x0, s1;
	[sflag:s0] =	ssyncset.done @!p0 $0x0  }
0x64: {  	[sflag:s0] =	ssyncadd.s32 @!p0 s1  }
0x65: {  	[bflag:$0x3] =	sbarrier.arrive $0xFFFF  }
0x66: {  	_ =	shalt  }

</sc_bundles>
